<compile_context>
chip_gen: v7x
topology: tpu7x:2x2x1
jax: 0.10.2.dev20260603
libtpu: 0.0.44.dev20260713+nightly
codegen_flags: <defaults>
</compile_context>

<pallas_src>
import functools

import jax
import jax.numpy as jnp
from jax import lax
from jax.experimental import pallas as pl
from jax.experimental.pallas import tpu as pltpu
from jax.experimental.pallas import tpu_sc as plsc

AUDIO_LEN = 48
TOTAL_LEN = 512
IMG_LEN = TOTAL_LEN - AUDIO_LEN
D = 192
EPG = 2048
LANES = 16
SAMPLES_PER_STEP = 4


def _sc_build_adj(src_hbm, dst_hbm, u_hbm, v_hbm,
                  src_v, dst_v, u_v, v_v, sem_s, sem_d):
    wid = lax.axis_index("c") * 16 + lax.axis_index("s")

    cp_s = pltpu.make_async_copy(src_hbm.at[wid], src_v, sem_s)
    cp_d = pltpu.make_async_copy(dst_hbm.at[wid], dst_v, sem_d)
    cp_s.start()
    cp_d.start()

    zeros = jnp.zeros((LANES,), jnp.float32)

    def zero_u(r, _):
        for c in range(IMG_LEN // LANES):
            u_v[r, pl.ds(c * LANES, LANES)] = zeros
        return 0

    def zero_v(r, _):
        for c in range(AUDIO_LEN // LANES):
            v_v[r, pl.ds(c * LANES, LANES)] = zeros
        return 0

    lax.fori_loop(0, AUDIO_LEN, zero_u, 0)
    lax.fori_loop(0, IMG_LEN, zero_v, 0)

    cp_s.wait()
    cp_d.wait()

    ones = jnp.ones((LANES,), jnp.float32)

    def edge_body(i, _):
        s = src_v[pl.ds(i * LANES, LANES)]
        d = dst_v[pl.ds(i * LANES, LANES)]
        i2a = (s < IMG_LEN) & (d >= IMG_LEN)
        a2i = (s >= IMG_LEN) & (d < IMG_LEN)
        plsc.store_scatter(u_v, [jnp.where(i2a, d - IMG_LEN, 0),
                                 jnp.where(i2a, s, 0)], ones, mask=i2a)
        plsc.store_scatter(v_v, [jnp.where(a2i, d, 0),
                                 jnp.where(a2i, s - IMG_LEN, 0)], ones, mask=a2i)
        return 0

    lax.fori_loop(0, EPG // LANES, edge_body, 0)

    lane = lax.iota(jnp.int32, LANES)
    plsc.store_scatter(u_v,
                       [jnp.full((LANES,), AUDIO_LEN - 1, jnp.int32),
                        jnp.full((LANES,), IMG_LEN - 1, jnp.int32)],
                       ones, mask=lane == 0)

    cp_u = pltpu.make_async_copy(u_v, u_hbm.at[wid], sem_s)
    cp_v = pltpu.make_async_copy(v_v, v_hbm.at[wid], sem_d)
    cp_u.start()
    cp_v.start()
    cp_u.wait()
    cp_v.wait()


def _attention(z, esd, adj):
    ed = esd[:, 0:1]
    es = esd[:, 1:2]
    e = ed + es.T
    e = jnp.maximum(e, 0.2 * e)
    e = jnp.where(adj, e, jnp.float32(-1e9))
    p = jnp.exp(e - jnp.max(e, axis=1, keepdims=True))
    denom = jnp.sum(p, axis=1, keepdims=True)
    msg = jnp.dot(p.astype(jnp.bfloat16), z,
                  preferred_element_type=jnp.float32)
    has = jnp.any(adj, axis=1, keepdims=True)
    return jnp.where(has, msg * (1.0 / denom), 0.0)


def _ln_rows(x, g, b):
    m = jnp.mean(x, axis=1, keepdims=True)
    xc = x - m
    v = jnp.mean(xc * xc, axis=1, keepdims=True)
    return xc * lax.rsqrt(v + 1e-5) * g + b


def _han_side(h_all, n, adjs, W, a2, W_out, b_out, ln_g, ln_b):
    S = SAMPLES_PER_STEP
    z_all = jnp.dot(h_all.astype(jnp.bfloat16), W.astype(jnp.bfloat16),
                    preferred_element_type=jnp.float32).astype(jnp.bfloat16)
    Wa = jnp.dot(W, a2, preferred_element_type=jnp.float32)
    esd_all = jnp.dot(h_all, Wa, preferred_element_type=jnp.float32)
    msgs = [
        _attention(z_all[si * n:(si + 1) * n],
                   esd_all[si * n:(si + 1) * n], adjs[si])
        for si in range(S)
    ]
    msg = jnp.concatenate(msgs, axis=0)
    g = jnp.where(msg > 0.0, msg, jnp.exp(jnp.minimum(msg, 0.0)) - 1.0)
    out = jnp.dot(g.astype(jnp.bfloat16), W_out.astype(jnp.bfloat16),
                  preferred_element_type=jnp.float32) + b_out
    return _ln_rows(out, ln_g, ln_b)


def _han_kernel(bf_ref, u_ref, v_ref, wmats_ref, a2_ref, vecs_ref, out_ref):
    S = SAMPLES_PER_STEP
    w = wmats_ref[...]
    vv = vecs_ref[...]
    a2 = a2_ref[...]

    adj_i = []
    adj_a = []
    for si in range(S):
        Ut = u_ref[si].astype(jnp.bfloat16)
        Vt = v_ref[si].astype(jnp.bfloat16)
        adj_i.append(jnp.dot(Vt, Ut, preferred_element_type=jnp.float32) > 0.0)
        adj_a.append(jnp.dot(Ut, Vt, preferred_element_type=jnp.float32) > 0.0)

    img_all = bf_ref[:, :IMG_LEN, :].reshape(S * IMG_LEN, D)
    aud_all = bf_ref[:, IMG_LEN:, :].reshape(S * AUDIO_LEN, D)

    out_i = _han_side(img_all, IMG_LEN, adj_i, w[0], a2[0], w[1],
                      vv[0:1], vv[2:3], vv[3:4])
    out_a = _han_side(aud_all, AUDIO_LEN, adj_a, w[2], a2[1], w[3],
                      vv[1:2], vv[4:5], vv[5:6])

    out_ref[:, :IMG_LEN, :] = out_i.reshape(S, IMG_LEN, D)
    out_ref[:, IMG_LEN:, :] = out_a.reshape(S, AUDIO_LEN, D)


@jax.jit
def kernel(batch_features, edge_indexes, i_params, a_params, norm1_g, norm1_b, norm2_g, norm2_b):
    Bn = batch_features.shape[0]
    src = edge_indexes[1].reshape(Bn, EPG).astype(jnp.int32)
    dst = edge_indexes[0].reshape(Bn, EPG).astype(jnp.int32)

    sc_build = functools.partial(
        pl.kernel,
        mesh=plsc.VectorSubcoreMesh(core_axis_name="c", subcore_axis_name="s"),
        out_type=[
            jax.ShapeDtypeStruct((Bn, AUDIO_LEN, IMG_LEN), jnp.float32),
            jax.ShapeDtypeStruct((Bn, IMG_LEN, AUDIO_LEN), jnp.float32),
        ],
        scratch_types=[
            pltpu.VMEM((EPG,), jnp.int32),
            pltpu.VMEM((EPG,), jnp.int32),
            pltpu.VMEM((AUDIO_LEN, IMG_LEN), jnp.float32),
            pltpu.VMEM((IMG_LEN, AUDIO_LEN), jnp.float32),
            pltpu.SemaphoreType.DMA,
            pltpu.SemaphoreType.DMA,
        ],
        compiler_params=pltpu.CompilerParams(needs_layout_passes=False),
    )(_sc_build_adj)
    u, v = sc_build(src, dst)

    wmats = jnp.stack([i_params['W'], i_params['W_out'],
                       a_params['W'], a_params['W_out']])
    a2 = jnp.stack([
        jnp.stack([i_params['a_dst'], i_params['a_src']], axis=1),
        jnp.stack([a_params['a_dst'], a_params['a_src']], axis=1),
    ])
    vecs = jnp.stack([i_params['b_out'], a_params['b_out'],
                      norm1_g, norm1_b, norm2_g, norm2_b])

    S = SAMPLES_PER_STEP
    return pl.pallas_call(
        _han_kernel,
        grid=(Bn // S,),
        in_specs=[
            pl.BlockSpec((S, TOTAL_LEN, D), lambda b: (b, 0, 0)),
            pl.BlockSpec((S, AUDIO_LEN, IMG_LEN), lambda b: (b, 0, 0)),
            pl.BlockSpec((S, IMG_LEN, AUDIO_LEN), lambda b: (b, 0, 0)),
            pl.BlockSpec((4, D, D), lambda b: (0, 0, 0)),
            pl.BlockSpec((2, D, 2), lambda b: (0, 0, 0)),
            pl.BlockSpec((6, D), lambda b: (0, 0)),
        ],
        out_specs=pl.BlockSpec((S, TOTAL_LEN, D), lambda b: (b, 0, 0)),
        out_shape=jax.ShapeDtypeStruct((Bn, TOTAL_LEN, D), jnp.float32),
        compiler_params=pltpu.CompilerParams(
            dimension_semantics=("parallel",), vmem_limit_bytes=100 * 1024 * 1024),
    )(batch_features, u, v, wmats, a2, vecs)

# --- scband reference (transcript-rebuilt; emitter-appended) ---
"""Pipeline reference for scband-av-han-41704132445076 (READ-ONLY COPY).

The authoritative reference and input builder live on the scoring server;
editing this copy changes nothing except your own understanding.
"""

import jax, jax.numpy as jnp
import numpy as np

AUDIO_LEN = 48
D = 192
B = 32
TOTAL_LEN = 512
EPG = 32 * 64


def _init_han_params(key):
    ks = jax.random.split(key, 6)
    s = 1.0 / np.sqrt(D)
    return {
        'W': jax.random.normal(ks[0], (D, D), dtype=jnp.float32) * s,
        'a_src': jax.random.normal(ks[1], (D,), dtype=jnp.float32) * s,
        'a_dst': jax.random.normal(ks[2], (D,), dtype=jnp.float32) * s,
        'W_sem': jax.random.normal(ks[3], (D, 128), dtype=jnp.float32) * s,
        'b_sem': jnp.zeros((128,), dtype=jnp.float32),
        'q_sem': jax.random.normal(ks[4], (128,), dtype=jnp.float32) * (1.0 / np.sqrt(128)),
        'W_out': jax.random.normal(ks[5], (D, D), dtype=jnp.float32) * s,
        'b_out': jnp.zeros((D,), dtype=jnp.float32),
    }


def setup_inputs(seed: int = 0):
    key = jax.random.key(seed)
    k1, k2, k3, k4 = jax.random.split(key, 4)
    batch_features = jax.random.normal(k1, (B, TOTAL_LEN, D), dtype=jnp.float32)
    edge_indexes = jax.random.randint(k2, (2, B, 32, 64), 0, TOTAL_LEN)
    return {
        'batch_features': batch_features,
        'edge_indexes': edge_indexes,
        'i_params': _init_han_params(k3),
        'a_params': _init_han_params(k4),
        'norm1_g': jnp.ones((D,), dtype=jnp.float32),
        'norm1_b': jnp.zeros((D,), dtype=jnp.float32),
        'norm2_g': jnp.ones((D,), dtype=jnp.float32),
        'norm2_b': jnp.zeros((D,), dtype=jnp.float32),
    }


def _gat(h, adj_in, p):
    # adj_in[i, j] = 1 if dst node i receives a message from src node j (metapath graph)
    z = h @ p['W']
    es = z @ p['a_src']
    ed = z @ p['a_dst']
    e = jax.nn.leaky_relu(ed[:, None] + es[None, :], 0.2)
    e = jnp.where(adj_in > 0, e, jnp.full_like(e, -1e9))
    alpha = jax.nn.softmax(e, axis=1)
    has = (adj_in.sum(axis=1) > 0).astype(z.dtype)[:, None]
    return jax.nn.elu((alpha @ z) * has)


def _han(h, adj_in, p):
    g = _gat(h, adj_in, p)
    # semantic attention over metapaths (single metapath -> beta == 1)
    w = jnp.mean(jnp.tanh(g @ p['W_sem'] + p['b_sem']) @ p['q_sem'])
    beta = jax.nn.softmax(jnp.stack([w]))[0]
    return (beta * g) @ p['W_out'] + p['b_out']


def _ln(x, g, b):
    m = x.mean(-1, keepdims=True)
    v = ((x - m) ** 2).mean(-1, keepdims=True)
    return (x - m) / jnp.sqrt(v + 1e-5) * g + b


def _build_adjs(e, image_len):
    src = e[:, 0]
    dst = e[:, 1]
    i2a = (src < image_len) & (dst >= image_len)
    a2i = (src >= image_len) & (dst < image_len)
    A_i2a = jnp.zeros((image_len, AUDIO_LEN), dtype=jnp.float32)
    A_i2a = A_i2a.at[jnp.where(i2a, src, 0), jnp.where(i2a, dst - image_len, 0)].add(i2a.astype(jnp.float32))
    A_i2a = A_i2a.at[image_len - 1, AUDIO_LEN - 1].add(1.0)  # appended sentinel edge
    A_a2i = jnp.zeros((AUDIO_LEN, image_len), dtype=jnp.float32)
    A_a2i = A_a2i.at[jnp.where(a2i, src - image_len, 0), jnp.where(a2i, dst, 0)].add(a2i.astype(jnp.float32))
    C_img = ((A_i2a @ A_a2i) > 0).astype(jnp.float32)  # metapath i2a->a2i: image->image
    C_aud = ((A_a2i @ A_i2a) > 0).astype(jnp.float32)  # metapath a2i->i2a: audio->audio
    return C_img.T, C_aud.T


def reference(batch_features, edge_indexes, i_params, a_params, norm1_g, norm1_b, norm2_g, norm2_b):
    Bn, total_len, d = batch_features.shape
    image_len = total_len - AUDIO_LEN
    img = batch_features[:, :image_len]
    aud = batch_features[:, image_len:]
    ei = jnp.transpose(edge_indexes, (1, 2, 3, 0)).reshape(Bn, -1, 2)
    ei = ei[:, :, ::-1]  # swap (x, y) -> (y, x) as in the torch code

    def _per_sample(args):
        e_i, img_i, aud_i = args
        Ai, Aa = _build_adjs(e_i, image_len)
        return _han(img_i, Ai, i_params), _han(aud_i, Aa, a_params)

    i_stack, a_stack = jax.lax.map(_per_sample, (ei, img, aud))
    i_h = _ln(i_stack, norm1_g, norm1_b)
    a_h = _ln(a_stack, norm2_g, norm2_b)
    return jnp.concatenate([i_h, a_h], axis=1)

if __name__ == "__main__":
    import jax
    _d = setup_inputs()
    print(jax.jit(kernel)(*tuple(_d.values())))

</pallas_src>

<mosaic_0001>
#map = affine_map<(d0, d1) -> (0, 0)>
#map1 = affine_map<(d0, d1) -> (0, 0, 0)>
module attributes {stable_mosaic.version = 14 : i64} {
  func.func @_sc_build_adj(%arg0: i32, %arg1: i32, %arg2: memref<32x2048xi32, #tpu.memory_space<hbm>>, %arg3: memref<32x2048xi32, #tpu.memory_space<hbm>>, %arg4: memref<32x48x464xf32, #tpu.memory_space<hbm>>, %arg5: memref<32x464x48xf32, #tpu.memory_space<hbm>>, %arg6: memref<2048xi32, #tpu.memory_space<vmem>>, %arg7: memref<2048xi32, #tpu.memory_space<vmem>>, %arg8: memref<48x464xf32, #tpu.memory_space<vmem>>, %arg9: memref<464x48xf32, #tpu.memory_space<vmem>>, %arg10: memref<!tpu.dma_semaphore, #tpu.memory_space<semaphore_mem>>, %arg11: memref<!tpu.dma_semaphore, #tpu.memory_space<semaphore_mem>>) attributes {dimension_semantics = [#tpu.dimension_semantics<core_parallel>, #tpu.dimension_semantics<subcore_parallel>], iteration_bounds = array<i64: 2, 16>, scalar_prefetch = 0 : i64, scratch_operands = 6 : i64, tpu.core_type = #tpu.core_type<sc_vector_subcore>, window_params = [{transform_indices = #map}, {transform_indices = #map}, {transform_indices = #map1}, {transform_indices = #map1}]} {
    %mul3A = arith.constant 16 : i32
    %mul3A_0 = arith.muli %arg0, %mul3A : i32
    %add3A = arith.addi %mul3A_0, %arg1 : i32
    %dma_start3A = arith.constant 0 : i32
    %dma_start3A_1 = tpu.memref_slice %arg2[%add3A, %dma_start3A] : memref<32x2048xi32, #tpu.memory_space<hbm>> -> memref<1x2048xi32, #tpu.memory_space<hbm>>
    %dma_start3A_2 = tpu.memref_squeeze %dma_start3A_1 : memref<1x2048xi32, #tpu.memory_space<hbm>> -> memref<2048xi32, #tpu.memory_space<hbm>>
    %dma_start3A_3 = arith.constant 0 : i32
    %dma_start3A_4 = tpu.memref_slice %arg2[%add3A, %dma_start3A_3] : memref<32x2048xi32, #tpu.memory_space<hbm>> -> memref<1x2048xi32, #tpu.memory_space<hbm>>
    %dma_start3A_5 = tpu.memref_squeeze %dma_start3A_4 : memref<1x2048xi32, #tpu.memory_space<hbm>> -> memref<2048xi32, #tpu.memory_space<hbm>>
    tpu.enqueue_dma source(%dma_start3A_5 : memref<2048xi32, #tpu.memory_space<hbm>>) target(%arg6 : memref<2048xi32, #tpu.memory_space<vmem>>) target_semaphore(%arg10 : memref<!tpu.dma_semaphore, #tpu.memory_space<semaphore_mem>>)
    %dma_start3A_6 = arith.constant 0 : i32
    %dma_start3A_7 = tpu.memref_slice %arg3[%add3A, %dma_start3A_6] : memref<32x2048xi32, #tpu.memory_space<hbm>> -> memref<1x2048xi32, #tpu.memory_space<hbm>>
    %dma_start3A_8 = tpu.memref_squeeze %dma_start3A_7 : memref<1x2048xi32, #tpu.memory_space<hbm>> -> memref<2048xi32, #tpu.memory_space<hbm>>
    %dma_start3A_9 = arith.constant 0 : i32
    %dma_start3A_10 = tpu.memref_slice %arg3[%add3A, %dma_start3A_9] : memref<32x2048xi32, #tpu.memory_space<hbm>> -> memref<1x2048xi32, #tpu.memory_space<hbm>>
    %dma_start3A_11 = tpu.memref_squeeze %dma_start3A_10 : memref<1x2048xi32, #tpu.memory_space<hbm>> -> memref<2048xi32, #tpu.memory_space<hbm>>
    tpu.enqueue_dma source(%dma_start3A_11 : memref<2048xi32, #tpu.memory_space<hbm>>) target(%arg7 : memref<2048xi32, #tpu.memory_space<vmem>>) target_semaphore(%arg11 : memref<!tpu.dma_semaphore, #tpu.memory_space<semaphore_mem>>)
    %broadcast_in_dim3A = arith.constant 0.000000e+00 : f32
    %broadcast_in_dim3A_12 = vector.broadcast %broadcast_in_dim3A : f32 to vector<16xf32>
    %scan3A = arith.constant 0 : i32
    %scan3A_13 = arith.constant 0 : i32
    %scan3A_14 = arith.constant 48 : i32
    %scan3A_15 = arith.addi %scan3A_13, %scan3A_14 : i32
    %scan3A_16 = arith.constant 1 : i32
    %scan3A_17 = scf.for %scan3A_84 = %scan3A_13 to %scan3A_15 step %scan3A_16 iter_args(%scan3A_85 = %scan3A) -> (i32)  : i32 {
      %swap3A = arith.index_cast %scan3A_84 : i32 to index
      %swap3A_86 = arith.constant 0 : index
      %swap3A_87 = tpu.vector_load %arg8[%swap3A, %swap3A_86] {strides = array<i32>} : memref<48x464xf32, #tpu.memory_space<vmem>>, vector<16xf32>,
      tpu.vector_store %arg8[%swap3A, %swap3A_86], %broadcast_in_dim3A_12 {strides = array<i32>} : memref<48x464xf32, #tpu.memory_space<vmem>>, vector<16xf32>,
      %swap3A_88 = arith.index_cast %scan3A_84 : i32 to index
      %swap3A_89 = arith.constant 16 : index
      %swap3A_90 = tpu.vector_load %arg8[%swap3A_88, %swap3A_89] {strides = array<i32>} : memref<48x464xf32, #tpu.memory_space<vmem>>, vector<16xf32>,
      tpu.vector_store %arg8[%swap3A_88, %swap3A_89], %broadcast_in_dim3A_12 {strides = array<i32>} : memref<48x464xf32, #tpu.memory_space<vmem>>, vector<16xf32>,
      %swap3A_91 = arith.index_cast %scan3A_84 : i32 to index
      %swap3A_92 = arith.constant 32 : index
      %swap3A_93 = tpu.vector_load %arg8[%swap3A_91, %swap3A_92] {strides = array<i32>} : memref<48x464xf32, #tpu.memory_space<vmem>>, vector<16xf32>,
      tpu.vector_store %arg8[%swap3A_91, %swap3A_92], %broadcast_in_dim3A_12 {strides = array<i32>} : memref<48x464xf32, #tpu.memory_space<vmem>>, vector<16xf32>,
      %swap3A_94 = arith.index_cast %scan3A_84 : i32 to index
      %swap3A_95 = arith.constant 48 : index
      %swap3A_96 = tpu.vector_load %arg8[%swap3A_94, %swap3A_95] {strides = array<i32>} : memref<48x464xf32, #tpu.memory_space<vmem>>, vector<16xf32>,
      tpu.vector_store %arg8[%swap3A_94, %swap3A_95], %broadcast_in_dim3A_12 {strides = array<i32>} : memref<48x464xf32, #tpu.memory_space<vmem>>, vector<16xf32>,
      %swap3A_97 = arith.index_cast %scan3A_84 : i32 to index
      %swap3A_98 = arith.constant 64 : index
      %swap3A_99 = tpu.vector_load %arg8[%swap3A_97, %swap3A_98] {strides = array<i32>} : memref<48x464xf32, #tpu.memory_space<vmem>>, vector<16xf32>,
      tpu.vector_store %arg8[%swap3A_97, %swap3A_98], %broadcast_in_dim3A_12 {strides = array<i32>} : memref<48x464xf32, #tpu.memory_space<vmem>>, vector<16xf32>,
      %swap3A_100 = arith.index_cast %scan3A_84 : i32 to index
      %swap3A_101 = arith.constant 80 : index
      %swap3A_102 = tpu.vector_load %arg8[%swap3A_100, %swap3A_101] {strides = array<i32>} : memref<48x464xf32, #tpu.memory_space<vmem>>, vector<16xf32>,
      tpu.vector_store %arg8[%swap3A_100, %swap3A_101], %broadcast_in_dim3A_12 {strides = array<i32>} : memref<48x464xf32, #tpu.memory_space<vmem>>, vector<16xf32>,
      %swap3A_103 = arith.index_cast %scan3A_84 : i32 to index
      %swap3A_104 = arith.constant 96 : index
      %swap3A_105 = tpu.vector_load %arg8[%swap3A_103, %swap3A_104] {strides = array<i32>} : memref<48x464xf32, #tpu.memory_space<vmem>>, vector<16xf32>,
      tpu.vector_store %arg8[%swap3A_103, %swap3A_104], %broadcast_in_dim3A_12 {strides = array<i32>} : memref<48x464xf32, #tpu.memory_space<vmem>>, vector<16xf32>,
      %swap3A_106 = arith.index_cast %scan3A_84 : i32 to index
      %swap3A_107 = arith.constant 112 : index
      %swap3A_108 = tpu.vector_load %arg8[%swap3A_106, %swap3A_107] {strides = array<i32>} : memref<48x464xf32, #tpu.memory_space<vmem>>, vector<16xf32>,
      tpu.vector_store %arg8[%swap3A_106, %swap3A_107], %broadcast_in_dim3A_12 {strides = array<i32>} : memref<48x464xf32, #tpu.memory_space<vmem>>, vector<16xf32>,
      %swap3A_109 = arith.index_cast %scan3A_84 : i32 to index
      %swap3A_110 = arith.constant 128 : index
      %swap3A_111 = tpu.vector_load %arg8[%swap3A_109, %swap3A_110] {strides = array<i32>} : memref<48x464xf32, #tpu.memory_space<vmem>>, vector<16xf32>,
      tpu.vector_store %arg8[%swap3A_109, %swap3A_110], %broadcast_in_dim3A_12 {strides = array<i32>} : memref<48x464xf32, #tpu.memory_space<vmem>>, vector<16xf32>,
      %swap3A_112 = arith.index_cast %scan3A_84 : i32 to index
      %swap3A_113 = arith.constant 144 : index
      %swap3A_114 = tpu.vector_load %arg8[%swap3A_112, %swap3A_113] {strides = array<i32>} : memref<48x464xf32, #tpu.memory_space<vmem>>, vector<16xf32>,
      tpu.vector_store %arg8[%swap3A_112, %swap3A_113], %broadcast_in_dim3A_12 {strides = array<i32>} : memref<48x464xf32, #tpu.memory_space<vmem>>, vector<16xf32>,
      %swap3A_115 = arith.index_cast %scan3A_84 : i32 to index
      %swap3A_116 = arith.constant 160 : index
      %swap3A_117 = tpu.vector_load %arg8[%swap3A_115, %swap3A_116] {strides = array<i32>} : memref<48x464xf32, #tpu.memory_space<vmem>>, vector<16xf32>,
      tpu.vector_store %arg8[%swap3A_115, %swap3A_116], %broadcast_in_dim3A_12 {strides = array<i32>} : memref<48x464xf32, #tpu.memory_space<vmem>>, vector<16xf32>,
      %swap3A_118 = arith.index_cast %scan3A_84 : i32 to index
      %swap3A_119 = arith.constant 176 : index
      %swap3A_120 = tpu.vector_load %arg8[%swap3A_118, %swap3A_119] {strides = array<i32>} : memref<48x464xf32, #tpu.memory_space<vmem>>, vector<16xf32>,
      tpu.vector_store %arg8[%swap3A_118, %swap3A_119], %broadcast_in_dim3A_12 {strides = array<i32>} : memref<48x464xf32, #tpu.memory_space<vmem>>, vector<16xf32>,
      %swap3A_121 = arith.index_cast %scan3A_84 : i32 to index
      %swap3A_122 = arith.constant 192 : index
      %swap3A_123 = tpu.vector_load %arg8[%swap3A_121, %swap3A_122] {strides = array<i32>} : memref<48x464xf32, #tpu.memory_space<vmem>>, vector<16xf32>,
      tpu.vector_store %arg8[%swap3A_121, %swap3A_122], %broadcast_in_dim3A_12 {strides = array<i32>} : memref<48x464xf32, #tpu.memory_space<vmem>>, vector<16xf32>,
      %swap3A_124 = arith.index_cast %scan3A_84 : i32 to index
      %swap3A_125 = arith.constant 208 : index
      %swap3A_126 = tpu.vector_load %arg8[%swap3A_124, %swap3A_125] {strides = array<i32>} : memref<48x464xf32, #tpu.memory_space<vmem>>, vector<16xf32>,
      tpu.vector_store %arg8[%swap3A_124, %swap3A_125], %broadcast_in_dim3A_12 {strides = array<i32>} : memref<48x464xf32, #tpu.memory_space<vmem>>, vector<16xf32>,
      %swap3A_127 = arith.index_cast %scan3A_84 : i32 to index
      %swap3A_128 = arith.constant 224 : index
      %swap3A_129 = tpu.vector_load %arg8[%swap3A_127, %swap3A_128] {strides = array<i32>} : memref<48x464xf32, #tpu.memory_space<vmem>>, vector<16xf32>,
      tpu.vector_store %arg8[%swap3A_127, %swap3A_128], %broadcast_in_dim3A_12 {strides = array<i32>} : memref<48x464xf32, #tpu.memory_space<vmem>>, vector<16xf32>,
      %swap3A_130 = arith.index_cast %scan3A_84 : i32 to index
      %swap3A_131 = arith.constant 240 : index
      %swap3A_132 = tpu.vector_load %arg8[%swap3A_130, %swap3A_131] {strides = array<i32>} : memref<48x464xf32, #tpu.memory_space<vmem>>, vector<16xf32>,
      tpu.vector_store %arg8[%swap3A_130, %swap3A_131], %broadcast_in_dim3A_12 {strides = array<i32>} : memref<48x464xf32, #tpu.memory_space<vmem>>, vector<16xf32>,
      %swap3A_133 = arith.index_cast %scan3A_84 : i32 to index
      %swap3A_134 = arith.constant 256 : index
      %swap3A_135 = tpu.vector_load %arg8[%swap3A_133, %swap3A_134] {strides = array<i32>} : memref<48x464xf32, #tpu.memory_space<vmem>>, vector<16xf32>,
      tpu.vector_store %arg8[%swap3A_133, %swap3A_134], %broadcast_in_dim3A_12 {strides = array<i32>} : memref<48x464xf32, #tpu.memory_space<vmem>>, vector<16xf32>,
      %swap3A_136 = arith.index_cast %scan3A_84 : i32 to index
      %swap3A_137 = arith.constant 272 : index
      %swap3A_138 = tpu.vector_load %arg8[%swap3A_136, %swap3A_137] {strides = array<i32>} : memref<48x464xf32, #tpu.memory_space<vmem>>, vector<16xf32>,
      tpu.vector_store %arg8[%swap3A_136, %swap3A_137], %broadcast_in_dim3A_12 {strides = array<i32>} : memref<48x464xf32, #tpu.memory_space<vmem>>, vector<16xf32>,
      %swap3A_139 = arith.index_cast %scan3A_84 : i32 to index
      %swap3A_140 = arith.constant 288 : index
      %swap3A_141 = tpu.vector_load %arg8[%swap3A_139, %swap3A_140] {strides = array<i32>} : memref<48x464xf32, #tpu.memory_space<vmem>>, vector<16xf32>,
      tpu.vector_store %arg8[%swap3A_139, %swap3A_140], %broadcast_in_dim3A_12 {strides = array<i32>} : memref<48x464xf32, #tpu.memory_space<vmem>>, vector<16xf32>,
      %swap3A_142 = arith.index_cast %scan3A_84 : i32 to index
      %swap3A_143 = arith.constant 304 : index
      %swap3A_144 = tpu.vector_load %arg8[%swap3A_142, %swap3A_143] {strides = array<i32>} : memref<48x464xf32, #tpu.memory_space<vmem>>, vector<16xf32>,
      tpu.vector_store %arg8[%swap3A_142, %swap3A_143], %broadcast_in_dim3A_12 {strides = array<i32>} : memref<48x464xf32, #tpu.memory_space<vmem>>, vector<16xf32>,
      %swap3A_145 = arith.index_cast %scan3A_84 : i32 to index
      %swap3A_146 = arith.constant 320 : index
      %swap3A_147 = tpu.vector_load %arg8[%swap3A_145, %swap3A_146] {strides = array<i32>} : memref<48x464xf32, #tpu.memory_space<vmem>>, vector<16xf32>,
      tpu.vector_store %arg8[%swap3A_145, %swap3A_146], %broadcast_in_dim3A_12 {strides = array<i32>} : memref<48x464xf32, #tpu.memory_space<vmem>>, vector<16xf32>,
      %swap3A_148 = arith.index_cast %scan3A_84 : i32 to index
      %swap3A_149 = arith.constant 336 : index
      %swap3A_150 = tpu.vector_load %arg8[%swap3A_148, %swap3A_149] {strides = array<i32>} : memref<48x464xf32, #tpu.memory_space<vmem>>, vector<16xf32>,
      tpu.vector_store %arg8[%swap3A_148, %swap3A_149], %broadcast_in_dim3A_12 {strides = array<i32>} : memref<48x464xf32, #tpu.memory_space<vmem>>, vector<16xf32>,
      %swap3A_151 = arith.index_cast %scan3A_84 : i32 to index
      %swap3A_152 = arith.constant 352 : index
      %swap3A_153 = tpu.vector_load %arg8[%swap3A_151, %swap3A_152] {strides = array<i32>} : memref<48x464xf32, #tpu.memory_space<vmem>>, vector<16xf32>,
      tpu.vector_store %arg8[%swap3A_151, %swap3A_152], %broadcast_in_dim3A_12 {strides = array<i32>} : memref<48x464xf32, #tpu.memory_space<vmem>>, vector<16xf32>,
      %swap3A_154 = arith.index_cast %scan3A_84 : i32 to index
      %swap3A_155 = arith.constant 368 : index
      %swap3A_156 = tpu.vector_load %arg8[%swap3A_154, %swap3A_155] {strides = array<i32>} : memref<48x464xf32, #tpu.memory_space<vmem>>, vector<16xf32>,
      tpu.vector_store %arg8[%swap3A_154, %swap3A_155], %broadcast_in_dim3A_12 {strides = array<i32>} : memref<48x464xf32, #tpu.memory_space<vmem>>, vector<16xf32>,
      %swap3A_157 = arith.index_cast %scan3A_84 : i32 to index
      %swap3A_158 = arith.constant 384 : index
      %swap3A_159 = tpu.vector_load %arg8[%swap3A_157, %swap3A_158] {strides = array<i32>} : memref<48x464xf32, #tpu.memory_space<vmem>>, vector<16xf32>,
      tpu.vector_store %arg8[%swap3A_157, %swap3A_158], %broadcast_in_dim3A_12 {strides = array<i32>} : memref<48x464xf32, #tpu.memory_space<vmem>>, vector<16xf32>,
      %swap3A_160 = arith.index_cast %scan3A_84 : i32 to index
      %swap3A_161 = arith.constant 400 : index
      %swap3A_162 = tpu.vector_load %arg8[%swap3A_160, %swap3A_161] {strides = array<i32>} : memref<48x464xf32, #tpu.memory_space<vmem>>, vector<16xf32>,
      tpu.vector_store %arg8[%swap3A_160, %swap3A_161], %broadcast_in_dim3A_12 {strides = array<i32>} : memref<48x464xf32, #tpu.memory_space<vmem>>, vector<16xf32>,
      %swap3A_163 = arith.index_cast %scan3A_84 : i32 to index
      %swap3A_164 = arith.constant 416 : index
      %swap3A_165 = tpu.vector_load %arg8[%swap3A_163, %swap3A_164] {strides = array<i32>} : memref<48x464xf32, #tpu.memory_space<vmem>>, vector<16xf32>,
      tpu.vector_store %arg8[%swap3A_163, %swap3A_164], %broadcast_in_dim3A_12 {strides = array<i32>} : memref<48x464xf32, #tpu.memory_space<vmem>>, vector<16xf32>,
      %swap3A_166 = arith.index_cast %scan3A_84 : i32 to index
      %swap3A_167 = arith.constant 432 : index
      %swap3A_168 = tpu.vector_load %arg8[%swap3A_166, %swap3A_167] {strides = array<i32>} : memref<48x464xf32, #tpu.memory_space<vmem>>, vector<16xf32>,
      tpu.vector_store %arg8[%swap3A_166, %swap3A_167], %broadcast_in_dim3A_12 {strides = array<i32>} : memref<48x464xf32, #tpu.memory_space<vmem>>, vector<16xf32>,
      %swap3A_169 = arith.index_cast %scan3A_84 : i32 to index
      %swap3A_170 = arith.constant 448 : index
      %swap3A_171 = tpu.vector_load %arg8[%swap3A_169, %swap3A_170] {strides = array<i32>} : memref<48x464xf32, #tpu.memory_space<vmem>>, vector<16xf32>,
      tpu.vector_store %arg8[%swap3A_169, %swap3A_170], %broadcast_in_dim3A_12 {strides = array<i32>} : memref<48x464xf32, #tpu.memory_space<vmem>>, vector<16xf32>,
      %scan3A_172 = arith.constant 0 : i32
      scf.yield %scan3A_172 : i32
    }
    %scan3A_18 = arith.constant 48 : i32
    %scan3A_19 = arith.constant 0 : i32
    %scan3A_20 = arith.constant 0 : i32
    %scan3A_21 = arith.constant 464 : i32
    %scan3A_22 = arith.addi %scan3A_20, %scan3A_21 : i32
    %scan3A_23 = arith.constant 1 : i32
    %scan3A_24 = scf.for %scan3A_84 = %scan3A_20 to %scan3A_22 step %scan3A_23 iter_args(%scan3A_85 = %scan3A_19) -> (i32)  : i32 {
      %swap3A = arith.index_cast %scan3A_84 : i32 to index
      %swap3A_86 = arith.constant 0 : index
      %swap3A_87 = tpu.vector_load %arg9[%swap3A, %swap3A_86] {strides = array<i32>} : memref<464x48xf32, #tpu.memory_space<vmem>>, vector<16xf32>,
      tpu.vector_store %arg9[%swap3A, %swap3A_86], %broadcast_in_dim3A_12 {strides = array<i32>} : memref<464x48xf32, #tpu.memory_space<vmem>>, vector<16xf32>,
      %swap3A_88 = arith.index_cast %scan3A_84 : i32 to index
      %swap3A_89 = arith.constant 16 : index
      %swap3A_90 = tpu.vector_load %arg9[%swap3A_88, %swap3A_89] {strides = array<i32>} : memref<464x48xf32, #tpu.memory_space<vmem>>, vector<16xf32>,
      tpu.vector_store %arg9[%swap3A_88, %swap3A_89], %broadcast_in_dim3A_12 {strides = array<i32>} : memref<464x48xf32, #tpu.memory_space<vmem>>, vector<16xf32>,
      %swap3A_91 = arith.index_cast %scan3A_84 : i32 to index
      %swap3A_92 = arith.constant 32 : index
      %swap3A_93 = tpu.vector_load %arg9[%swap3A_91, %swap3A_92] {strides = array<i32>} : memref<464x48xf32, #tpu.memory_space<vmem>>, vector<16xf32>,
      tpu.vector_store %arg9[%swap3A_91, %swap3A_92], %broadcast_in_dim3A_12 {strides = array<i32>} : memref<464x48xf32, #tpu.memory_space<vmem>>, vector<16xf32>,
      %scan3A_94 = arith.constant 0 : i32
      scf.yield %scan3A_94 : i32
    }
    %scan3A_25 = arith.constant 464 : i32
    %dma_wait3A = arith.constant 0 : i32
    %dma_wait3A_26 = tpu.memref_slice %arg2[%add3A, %dma_wait3A] : memref<32x2048xi32, #tpu.memory_space<hbm>> -> memref<1x2048xi32, #tpu.memory_space<hbm>>
    %dma_wait3A_27 = tpu.memref_squeeze %dma_wait3A_26 : memref<1x2048xi32, #tpu.memory_space<hbm>> -> memref<2048xi32, #tpu.memory_space<hbm>>
    %dma_wait3A_28 = arith.constant 0 : i32
    %dma_wait3A_29 = tpu.memref_slice %arg2[%add3A, %dma_wait3A_28] : memref<32x2048xi32, #tpu.memory_space<hbm>> -> memref<1x2048xi32, #tpu.memory_space<hbm>>
    %dma_wait3A_30 = tpu.memref_squeeze %dma_wait3A_29 : memref<1x2048xi32, #tpu.memory_space<hbm>> -> memref<2048xi32, #tpu.memory_space<hbm>>
    tpu.wait_dma2 semaphore(%arg10 : memref<!tpu.dma_semaphore, #tpu.memory_space<semaphore_mem>>) src(%dma_wait3A_30 : memref<2048xi32, #tpu.memory_space<hbm>>) dst(%arg6 : memref<2048xi32, #tpu.memory_space<vmem>>)
    %dma_wait3A_31 = arith.constant 0 : i32
    %dma_wait3A_32 = tpu.memref_slice %arg3[%add3A, %dma_wait3A_31] : memref<32x2048xi32, #tpu.memory_space<hbm>> -> memref<1x2048xi32, #tpu.memory_space<hbm>>
    %dma_wait3A_33 = tpu.memref_squeeze %dma_wait3A_32 : memref<1x2048xi32, #tpu.memory_space<hbm>> -> memref<2048xi32, #tpu.memory_space<hbm>>
    %dma_wait3A_34 = arith.constant 0 : i32
    %dma_wait3A_35 = tpu.memref_slice %arg3[%add3A, %dma_wait3A_34] : memref<32x2048xi32, #tpu.memory_space<hbm>> -> memref<1x2048xi32, #tpu.memory_space<hbm>>
    %dma_wait3A_36 = tpu.memref_squeeze %dma_wait3A_35 : memref<1x2048xi32, #tpu.memory_space<hbm>> -> memref<2048xi32, #tpu.memory_space<hbm>>
    tpu.wait_dma2 semaphore(%arg11 : memref<!tpu.dma_semaphore, #tpu.memory_space<semaphore_mem>>) src(%dma_wait3A_36 : memref<2048xi32, #tpu.memory_space<hbm>>) dst(%arg7 : memref<2048xi32, #tpu.memory_space<vmem>>)
    %broadcast_in_dim3A_37 = arith.constant 1.000000e+00 : f32
    %broadcast_in_dim3A_38 = vector.broadcast %broadcast_in_dim3A_37 : f32 to vector<16xf32>
    %scan3A_39 = arith.constant 0 : i32
    %scan3A_40 = arith.constant 0 : i32
    %scan3A_41 = arith.constant 128 : i32
    %scan3A_42 = arith.addi %scan3A_40, %scan3A_41 : i32
    %scan3A_43 = arith.constant 1 : i32
    %scan3A_44 = scf.for %scan3A_84 = %scan3A_40 to %scan3A_42 step %scan3A_43 iter_args(%scan3A_85 = %scan3A_39) -> (i32)  : i32 {
      %mul3A_86 = arith.constant 16 : i32
      %mul3A_87 = arith.muli %scan3A_84, %mul3A_86 : i32
      %get3A = arith.index_cast %mul3A_87 : i32 to index
      %get3A_88 = tpu.vector_load %arg6[%get3A] {strides = array<i32>} : memref<2048xi32, #tpu.memory_space<vmem>>, vector<16xi32>,
      %mul3A_89 = arith.constant 16 : i32
      %mul3A_90 = arith.muli %scan3A_84, %mul3A_89 : i32
      %get3A_91 = arith.index_cast %mul3A_90 : i32 to index
      %get3A_92 = tpu.vector_load %arg7[%get3A_91] {strides = array<i32>} : memref<2048xi32, #tpu.memory_space<vmem>>, vector<16xi32>,
      %lt3A = arith.constant 464 : i32
      %lt3A_93 = vector.broadcast %lt3A : i32 to vector<16xi32>
      %lt3A_94 = arith.cmpi slt, %get3A_88, %lt3A_93 : vector<16xi32>
      %ge3A = arith.constant 464 : i32
      %ge3A_95 = vector.broadcast %ge3A : i32 to vector<16xi32>
      %ge3A_96 = arith.cmpi sge, %get3A_92, %ge3A_95 : vector<16xi32>
      %and3A = arith.andi %lt3A_94, %ge3A_96 : vector<16xi1>
      %ge3A_97 = arith.constant 464 : i32
      %ge3A_98 = vector.broadcast %ge3A_97 : i32 to vector<16xi32>
      %ge3A_99 = arith.cmpi sge, %get3A_88, %ge3A_98 : vector<16xi32>
      %lt3A_100 = arith.constant 464 : i32
      %lt3A_101 = vector.broadcast %lt3A_100 : i32 to vector<16xi32>
      %lt3A_102 = arith.cmpi slt, %get3A_92, %lt3A_101 : vector<16xi32>
      %and3A_103 = arith.andi %ge3A_99, %lt3A_102 : vector<16xi1>
      %sub3A = arith.constant 464 : i32
      %sub3A_104 = vector.broadcast %sub3A : i32 to vector<16xi32>
      %sub3A_105 = arith.subi %get3A_92, %sub3A_104 : vector<16xi32>
      %jit3A = arith.constant 0 : i32
      %broadcast_in_dim3A_106 = vector.broadcast %jit3A : i32 to vector<16xi32>
      %select_n3A = arith.select %and3A, %sub3A_105, %broadcast_in_dim3A_106 : vector<16xi1>, vector<16xi32>
      %jit3A_107 = arith.constant 0 : i32
      %broadcast_in_dim3A_108 = vector.broadcast %jit3A_107 : i32 to vector<16xi32>
      %select_n3A_109 = arith.select %and3A, %get3A_88, %broadcast_in_dim3A_108 : vector<16xi1>, vector<16xi32>
      tpu.vector_store_idx %arg8[%select_n3A, %select_n3A_109], %broadcast_in_dim3A_38 masked %and3A : memref<48x464xf32, #tpu.memory_space<vmem>>[vector<16xi32>, vector<16xi32>], vector<16xf32>, vector<16xi1>
      %jit3A_110 = arith.constant 0 : i32
      %broadcast_in_dim3A_111 = vector.broadcast %jit3A_110 : i32 to vector<16xi32>
      %select_n3A_112 = arith.select %and3A_103, %get3A_92, %broadcast_in_dim3A_111 : vector<16xi1>, vector<16xi32>
      %sub3A_113 = arith.constant 464 : i32
      %sub3A_114 = vector.broadcast %sub3A_113 : i32 to vector<16xi32>
      %sub3A_115 = arith.subi %get3A_88, %sub3A_114 : vector<16xi32>
      %jit3A_116 = arith.constant 0 : i32
      %broadcast_in_dim3A_117 = vector.broadcast %jit3A_116 : i32 to vector<16xi32>
      %select_n3A_118 = arith.select %and3A_103, %sub3A_115, %broadcast_in_dim3A_117 : vector<16xi1>, vector<16xi32>
      tpu.vector_store_idx %arg9[%select_n3A_112, %select_n3A_118], %broadcast_in_dim3A_38 masked %and3A_103 : memref<464x48xf32, #tpu.memory_space<vmem>>[vector<16xi32>, vector<16xi32>], vector<16xf32>, vector<16xi1>
      %scan3A_119 = arith.constant 0 : i32
      scf.yield %scan3A_119 : i32
    }
    %scan3A_45 = arith.constant 128 : i32
    %iota3A = tpu.iota {dimensions = array<i32: 0>} : vector<16xi32>
    %broadcast_in_dim3A_46 = arith.constant 47 : i32
    %broadcast_in_dim3A_47 = vector.broadcast %broadcast_in_dim3A_46 : i32 to vector<16xi32>
    %broadcast_in_dim3A_48 = arith.constant 463 : i32
    %broadcast_in_dim3A_49 = vector.broadcast %broadcast_in_dim3A_48 : i32 to vector<16xi32>
    %eq3A = arith.constant 0 : i32
    %eq3A_50 = vector.broadcast %eq3A : i32 to vector<16xi32>
    %eq3A_51 = arith.cmpi eq, %iota3A, %eq3A_50 : vector<16xi32>
    tpu.vector_store_idx %arg8[%broadcast_in_dim3A_47, %broadcast_in_dim3A_49], %broadcast_in_dim3A_38 masked %eq3A_51 : memref<48x464xf32, #tpu.memory_space<vmem>>[vector<16xi32>, vector<16xi32>], vector<16xf32>, vector<16xi1>
    %dma_start3A_52 = arith.constant 0 : i32
    %dma_start3A_53 = arith.constant 0 : i32
    %dma_start3A_54 = tpu.memref_slice %arg4[%add3A, %dma_start3A_52, %dma_start3A_53] : memref<32x48x464xf32, #tpu.memory_space<hbm>> -> memref<1x48x464xf32, #tpu.memory_space<hbm>>
    %dma_start3A_55 = tpu.memref_squeeze %dma_start3A_54 : memref<1x48x464xf32, #tpu.memory_space<hbm>> -> memref<48x464xf32, #tpu.memory_space<hbm>>
    %dma_start3A_56 = arith.constant 0 : i32
    %dma_start3A_57 = arith.constant 0 : i32
    %dma_start3A_58 = tpu.memref_slice %arg4[%add3A, %dma_start3A_56, %dma_start3A_57] : memref<32x48x464xf32, #tpu.memory_space<hbm>> -> memref<1x48x464xf32, #tpu.memory_space<hbm>>
    %dma_start3A_59 = tpu.memref_squeeze %dma_start3A_58 : memref<1x48x464xf32, #tpu.memory_space<hbm>> -> memref<48x464xf32, #tpu.memory_space<hbm>>
    tpu.enqueue_dma source(%arg8 : memref<48x464xf32, #tpu.memory_space<vmem>>) target(%dma_start3A_59 : memref<48x464xf32, #tpu.memory_space<hbm>>) target_semaphore(%arg10 : memref<!tpu.dma_semaphore, #tpu.memory_space<semaphore_mem>>)
    %dma_start3A_60 = arith.constant 0 : i32
    %dma_start3A_61 = arith.constant 0 : i32
    %dma_start3A_62 = tpu.memref_slice %arg5[%add3A, %dma_start3A_60, %dma_start3A_61] : memref<32x464x48xf32, #tpu.memory_space<hbm>> -> memref<1x464x48xf32, #tpu.memory_space<hbm>>
    %dma_start3A_63 = tpu.memref_squeeze %dma_start3A_62 : memref<1x464x48xf32, #tpu.memory_space<hbm>> -> memref<464x48xf32, #tpu.memory_space<hbm>>
    %dma_start3A_64 = arith.constant 0 : i32
    %dma_start3A_65 = arith.constant 0 : i32
    %dma_start3A_66 = tpu.memref_slice %arg5[%add3A, %dma_start3A_64, %dma_start3A_65] : memref<32x464x48xf32, #tpu.memory_space<hbm>> -> memref<1x464x48xf32, #tpu.memory_space<hbm>>
    %dma_start3A_67 = tpu.memref_squeeze %dma_start3A_66 : memref<1x464x48xf32, #tpu.memory_space<hbm>> -> memref<464x48xf32, #tpu.memory_space<hbm>>
    tpu.enqueue_dma source(%arg9 : memref<464x48xf32, #tpu.memory_space<vmem>>) target(%dma_start3A_67 : memref<464x48xf32, #tpu.memory_space<hbm>>) target_semaphore(%arg11 : memref<!tpu.dma_semaphore, #tpu.memory_space<semaphore_mem>>)
    %dma_wait3A_68 = arith.constant 0 : i32
    %dma_wait3A_69 = arith.constant 0 : i32
    %dma_wait3A_70 = tpu.memref_slice %arg4[%add3A, %dma_wait3A_68, %dma_wait3A_69] : memref<32x48x464xf32, #tpu.memory_space<hbm>> -> memref<1x48x464xf32, #tpu.memory_space<hbm>>
    %dma_wait3A_71 = tpu.memref_squeeze %dma_wait3A_70 : memref<1x48x464xf32, #tpu.memory_space<hbm>> -> memref<48x464xf32, #tpu.memory_space<hbm>>
    %dma_wait3A_72 = arith.constant 0 : i32
    %dma_wait3A_73 = arith.constant 0 : i32
    %dma_wait3A_74 = tpu.memref_slice %arg4[%add3A, %dma_wait3A_72, %dma_wait3A_73] : memref<32x48x464xf32, #tpu.memory_space<hbm>> -> memref<1x48x464xf32, #tpu.memory_space<hbm>>
    %dma_wait3A_75 = tpu.memref_squeeze %dma_wait3A_74 : memref<1x48x464xf32, #tpu.memory_space<hbm>> -> memref<48x464xf32, #tpu.memory_space<hbm>>
    tpu.wait_dma2 semaphore(%arg10 : memref<!tpu.dma_semaphore, #tpu.memory_space<semaphore_mem>>) src(%arg8 : memref<48x464xf32, #tpu.memory_space<vmem>>) dst(%dma_wait3A_75 : memref<48x464xf32, #tpu.memory_space<hbm>>)
    %dma_wait3A_76 = arith.constant 0 : i32
    %dma_wait3A_77 = arith.constant 0 : i32
    %dma_wait3A_78 = tpu.memref_slice %arg5[%add3A, %dma_wait3A_76, %dma_wait3A_77] : memref<32x464x48xf32, #tpu.memory_space<hbm>> -> memref<1x464x48xf32, #tpu.memory_space<hbm>>
    %dma_wait3A_79 = tpu.memref_squeeze %dma_wait3A_78 : memref<1x464x48xf32, #tpu.memory_space<hbm>> -> memref<464x48xf32, #tpu.memory_space<hbm>>
    %dma_wait3A_80 = arith.constant 0 : i32
    %dma_wait3A_81 = arith.constant 0 : i32
    %dma_wait3A_82 = tpu.memref_slice %arg5[%add3A, %dma_wait3A_80, %dma_wait3A_81] : memref<32x464x48xf32, #tpu.memory_space<hbm>> -> memref<1x464x48xf32, #tpu.memory_space<hbm>>
    %dma_wait3A_83 = tpu.memref_squeeze %dma_wait3A_82 : memref<1x464x48xf32, #tpu.memory_space<hbm>> -> memref<464x48xf32, #tpu.memory_space<hbm>>
    tpu.wait_dma2 semaphore(%arg11 : memref<!tpu.dma_semaphore, #tpu.memory_space<semaphore_mem>>) src(%arg9 : memref<464x48xf32, #tpu.memory_space<vmem>>) dst(%dma_wait3A_83 : memref<464x48xf32, #tpu.memory_space<hbm>>)
    return
  }
}

module attributes {stable_mosaic.version = 14 : i64} {
  func.func @_han_kernel(%arg0: i32, %arg1: memref<4x512x192xf32, #tpu.memory_space<vmem>>, %arg2: memref<4x48x464xf32, #tpu.memory_space<vmem>>, %arg3: memref<4x464x48xf32, #tpu.memory_space<vmem>>, %arg4: memref<4x192x192xf32, #tpu.memory_space<vmem>>, %arg5: memref<2x192x2xf32, #tpu.memory_space<vmem>>, %arg6: memref<6x192xf32, #tpu.memory_space<vmem>>, %arg7: memref<4x512x192xf32, #tpu.memory_space<vmem>>) attributes {dimension_semantics = [#tpu.dimension_semantics<parallel>], iteration_bounds = array<i64: 8>, scalar_prefetch = 0 : i64, scratch_operands = 0 : i64, tpu.core_type = #tpu.core_type<tc>, window_params = [{transform_indices = @transform_0, window_bounds = array<i64: 4, 512, 192>}, {transform_indices = @transform_1, window_bounds = array<i64: 4, 48, 464>}, {transform_indices = @transform_2, window_bounds = array<i64: 4, 464, 48>}, {pipeline_mode = #tpu.pipeline_mode<synchronous>, transform_indices = @transform_3, window_bounds = array<i64: 4, 192, 192>}, {pipeline_mode = #tpu.pipeline_mode<synchronous>, transform_indices = @transform_4, window_bounds = array<i64: 2, 192, 2>}, {pipeline_mode = #tpu.pipeline_mode<synchronous>, transform_indices = @transform_5, window_bounds = array<i64: 6, 192>}, {transform_indices = @transform_6, window_bounds = array<i64: 4, 512, 192>}]} {
    %get3A = arith.constant 0 : index
    %get3A_0 = arith.constant 0 : index
    %get3A_1 = arith.constant 0 : index
    %get3A_2 = vector.load %arg4[%get3A, %get3A_0, %get3A_1] : memref<4x192x192xf32, #tpu.memory_space<vmem>>, vector<4x192x192xf32>
    %get3A_3 = arith.constant 0 : index
    %get3A_4 = arith.constant 0 : index
    %get3A_5 = vector.load %arg6[%get3A_3, %get3A_4] : memref<6x192xf32, #tpu.memory_space<vmem>>, vector<6x192xf32>
    %get3A_6 = arith.constant 0 : index
    %get3A_7 = arith.constant 0 : index
    %get3A_8 = arith.constant 0 : index
    %get3A_9 = vector.load %arg5[%get3A_6, %get3A_7, %get3A_8] : memref<2x192x2xf32, #tpu.memory_space<vmem>>, vector<2x192x2xf32>
    %get3A_10 = arith.constant 0 : index
    %get3A_11 = arith.constant 0 : index
    %get3A_12 = arith.constant 0 : index
    %get3A_13 = vector.load %arg2[%get3A_10, %get3A_11, %get3A_12] : memref<4x48x464xf32, #tpu.memory_space<vmem>>, vector<1x48x464xf32>
    %get3A_14 = vector.shape_cast %get3A_13 : vector<1x48x464xf32> to vector<48x464xf32>
    %convert_element_type3A = arith.truncf %get3A_14 : vector<48x464xf32> to vector<48x464xbf16>
    %get3A_15 = arith.constant 0 : index
    %get3A_16 = arith.constant 0 : index
    %get3A_17 = arith.constant 0 : index
    %get3A_18 = vector.load %arg3[%get3A_15, %get3A_16, %get3A_17] : memref<4x464x48xf32, #tpu.memory_space<vmem>>, vector<1x464x48xf32>
    %get3A_19 = vector.shape_cast %get3A_18 : vector<1x464x48xf32> to vector<464x48xf32>
    %convert_element_type3A_20 = arith.truncf %get3A_19 : vector<464x48xf32> to vector<464x48xbf16>
    %dot_general3A = arith.constant dense<0.000000e+00> : vector<464x464xf32>
    %dot_general3A_21 = tpu.matmul %convert_element_type3A_20, %convert_element_type3A, %dot_general3A {dimension_numbers = #tpu.dot_dimension_numbers<[1], [0], [0], [1], [0, 0, 1, 1], [], []>, transpose_lhs_hint = false} : vector<464x48xbf16>, vector<48x464xbf16>, vector<464x464xf32> -> vector<464x464xf32>
    %gt3A = arith.constant 0.000000e+00 : f32
    %gt3A_22 = vector.broadcast %gt3A : f32 to vector<464x464xf32>
    %gt3A_23 = arith.cmpf ogt, %dot_general3A_21, %gt3A_22 : vector<464x464xf32>
    %dot_general3A_24 = arith.constant dense<0.000000e+00> : vector<48x48xf32>
    %dot_general3A_25 = tpu.matmul %convert_element_type3A, %convert_element_type3A_20, %dot_general3A_24 {dimension_numbers = #tpu.dot_dimension_numbers<[1], [0], [0], [1], [0, 0, 1, 1], [], []>, transpose_lhs_hint = false} : vector<48x464xbf16>, vector<464x48xbf16>, vector<48x48xf32> -> vector<48x48xf32>
    %gt3A_26 = arith.constant 0.000000e+00 : f32
    %gt3A_27 = vector.broadcast %gt3A_26 : f32 to vector<48x48xf32>
    %gt3A_28 = arith.cmpf ogt, %dot_general3A_25, %gt3A_27 : vector<48x48xf32>
    %get3A_29 = arith.constant 1 : index
    %get3A_30 = arith.constant 0 : index
    %get3A_31 = arith.constant 0 : index
    %get3A_32 = vector.load %arg2[%get3A_29, %get3A_30, %get3A_31] : memref<4x48x464xf32, #tpu.memory_space<vmem>>, vector<1x48x464xf32>
    %get3A_33 = vector.shape_cast %get3A_32 : vector<1x48x464xf32> to vector<48x464xf32>
    %convert_element_type3A_34 = arith.truncf %get3A_33 : vector<48x464xf32> to vector<48x464xbf16>
    %get3A_35 = arith.constant 1 : index
    %get3A_36 = arith.constant 0 : index
    %get3A_37 = arith.constant 0 : index
    %get3A_38 = vector.load %arg3[%get3A_35, %get3A_36, %get3A_37] : memref<4x464x48xf32, #tpu.memory_space<vmem>>, vector<1x464x48xf32>
    %get3A_39 = vector.shape_cast %get3A_38 : vector<1x464x48xf32> to vector<464x48xf32>
    %convert_element_type3A_40 = arith.truncf %get3A_39 : vector<464x48xf32> to vector<464x48xbf16>
    %dot_general3A_41 = arith.constant dense<0.000000e+00> : vector<464x464xf32>
    %dot_general3A_42 = tpu.matmul %convert_element_type3A_40, %convert_element_type3A_34, %dot_general3A_41 {dimension_numbers = #tpu.dot_dimension_numbers<[1], [0], [0], [1], [0, 0, 1, 1], [], []>, transpose_lhs_hint = false} : vector<464x48xbf16>, vector<48x464xbf16>, vector<464x464xf32> -> vector<464x464xf32>
    %gt3A_43 = arith.constant 0.000000e+00 : f32
    %gt3A_44 = vector.broadcast %gt3A_43 : f32 to vector<464x464xf32>
    %gt3A_45 = arith.cmpf ogt, %dot_general3A_42, %gt3A_44 : vector<464x464xf32>
    %dot_general3A_46 = arith.constant dense<0.000000e+00> : vector<48x48xf32>
    %dot_general3A_47 = tpu.matmul %convert_element_type3A_34, %convert_element_type3A_40, %dot_general3A_46 {dimension_numbers = #tpu.dot_dimension_numbers<[1], [0], [0], [1], [0, 0, 1, 1], [], []>, transpose_lhs_hint = false} : vector<48x464xbf16>, vector<464x48xbf16>, vector<48x48xf32> -> vector<48x48xf32>
    %gt3A_48 = arith.constant 0.000000e+00 : f32
    %gt3A_49 = vector.broadcast %gt3A_48 : f32 to vector<48x48xf32>
    %gt3A_50 = arith.cmpf ogt, %dot_general3A_47, %gt3A_49 : vector<48x48xf32>
    %get3A_51 = arith.constant 2 : index
    %get3A_52 = arith.constant 0 : index
    %get3A_53 = arith.constant 0 : index
    %get3A_54 = vector.load %arg2[%get3A_51, %get3A_52, %get3A_53] : memref<4x48x464xf32, #tpu.memory_space<vmem>>, vector<1x48x464xf32>
    %get3A_55 = vector.shape_cast %get3A_54 : vector<1x48x464xf32> to vector<48x464xf32>
    %convert_element_type3A_56 = arith.truncf %get3A_55 : vector<48x464xf32> to vector<48x464xbf16>
    %get3A_57 = arith.constant 2 : index
    %get3A_58 = arith.constant 0 : index
    %get3A_59 = arith.constant 0 : index
    %get3A_60 = vector.load %arg3[%get3A_57, %get3A_58, %get3A_59] : memref<4x464x48xf32, #tpu.memory_space<vmem>>, vector<1x464x48xf32>
    %get3A_61 = vector.shape_cast %get3A_60 : vector<1x464x48xf32> to vector<464x48xf32>
    %convert_element_type3A_62 = arith.truncf %get3A_61 : vector<464x48xf32> to vector<464x48xbf16>
    %dot_general3A_63 = arith.constant dense<0.000000e+00> : vector<464x464xf32>
    %dot_general3A_64 = tpu.matmul %convert_element_type3A_62, %convert_element_type3A_56, %dot_general3A_63 {dimension_numbers = #tpu.dot_dimension_numbers<[1], [0], [0], [1], [0, 0, 1, 1], [], []>, transpose_lhs_hint = false} : vector<464x48xbf16>, vector<48x464xbf16>, vector<464x464xf32> -> vector<464x464xf32>
    %gt3A_65 = arith.constant 0.000000e+00 : f32
    %gt3A_66 = vector.broadcast %gt3A_65 : f32 to vector<464x464xf32>
    %gt3A_67 = arith.cmpf ogt, %dot_general3A_64, %gt3A_66 : vector<464x464xf32>
    %dot_general3A_68 = arith.constant dense<0.000000e+00> : vector<48x48xf32>
    %dot_general3A_69 = tpu.matmul %convert_element_type3A_56, %convert_element_type3A_62, %dot_general3A_68 {dimension_numbers = #tpu.dot_dimension_numbers<[1], [0], [0], [1], [0, 0, 1, 1], [], []>, transpose_lhs_hint = false} : vector<48x464xbf16>, vector<464x48xbf16>, vector<48x48xf32> -> vector<48x48xf32>
    %gt3A_70 = arith.constant 0.000000e+00 : f32
    %gt3A_71 = vector.broadcast %gt3A_70 : f32 to vector<48x48xf32>
    %gt3A_72 = arith.cmpf ogt, %dot_general3A_69, %gt3A_71 : vector<48x48xf32>
    %get3A_73 = arith.constant 3 : index
    %get3A_74 = arith.constant 0 : index
    %get3A_75 = arith.constant 0 : index
    %get3A_76 = vector.load %arg2[%get3A_73, %get3A_74, %get3A_75] : memref<4x48x464xf32, #tpu.memory_space<vmem>>, vector<1x48x464xf32>
    %get3A_77 = vector.shape_cast %get3A_76 : vector<1x48x464xf32> to vector<48x464xf32>
    %convert_element_type3A_78 = arith.truncf %get3A_77 : vector<48x464xf32> to vector<48x464xbf16>
    %get3A_79 = arith.constant 3 : index
    %get3A_80 = arith.constant 0 : index
    %get3A_81 = arith.constant 0 : index
    %get3A_82 = vector.load %arg3[%get3A_79, %get3A_80, %get3A_81] : memref<4x464x48xf32, #tpu.memory_space<vmem>>, vector<1x464x48xf32>
    %get3A_83 = vector.shape_cast %get3A_82 : vector<1x464x48xf32> to vector<464x48xf32>
    %convert_element_type3A_84 = arith.truncf %get3A_83 : vector<464x48xf32> to vector<464x48xbf16>
    %dot_general3A_85 = arith.constant dense<0.000000e+00> : vector<464x464xf32>
    %dot_general3A_86 = tpu.matmul %convert_element_type3A_84, %convert_element_type3A_78, %dot_general3A_85 {dimension_numbers = #tpu.dot_dimension_numbers<[1], [0], [0], [1], [0, 0, 1, 1], [], []>, transpose_lhs_hint = false} : vector<464x48xbf16>, vector<48x464xbf16>, vector<464x464xf32> -> vector<464x464xf32>
    %gt3A_87 = arith.constant 0.000000e+00 : f32
    %gt3A_88 = vector.broadcast %gt3A_87 : f32 to vector<464x464xf32>
    %gt3A_89 = arith.cmpf ogt, %dot_general3A_86, %gt3A_88 : vector<464x464xf32>
    %dot_general3A_90 = arith.constant dense<0.000000e+00> : vector<48x48xf32>
    %dot_general3A_91 = tpu.matmul %convert_element_type3A_78, %convert_element_type3A_84, %dot_general3A_90 {dimension_numbers = #tpu.dot_dimension_numbers<[1], [0], [0], [1], [0, 0, 1, 1], [], []>, transpose_lhs_hint = false} : vector<48x464xbf16>, vector<464x48xbf16>, vector<48x48xf32> -> vector<48x48xf32>
    %gt3A_92 = arith.constant 0.000000e+00 : f32
    %gt3A_93 = vector.broadcast %gt3A_92 : f32 to vector<48x48xf32>
    %gt3A_94 = arith.cmpf ogt, %dot_general3A_91, %gt3A_93 : vector<48x48xf32>
    %get3A_95 = arith.constant 0 : index
    %get3A_96 = arith.constant 0 : index
    %get3A_97 = arith.constant 0 : index
    %get3A_98 = vector.load %arg1[%get3A_95, %get3A_96, %get3A_97] : memref<4x512x192xf32, #tpu.memory_space<vmem>>, vector<4x464x192xf32>
    %reshape3A = vector.shape_cast %get3A_98 : vector<4x464x192xf32> to vector<1856x192xf32>
    %get3A_99 = arith.constant 0 : index
    %get3A_100 = arith.constant 464 : index
    %get3A_101 = arith.constant 0 : index
    %get3A_102 = vector.load %arg1[%get3A_99, %get3A_100, %get3A_101] : memref<4x512x192xf32, #tpu.memory_space<vmem>>, vector<4x48x192xf32>
    %reshape3A_103 = vector.shape_cast %get3A_102 : vector<4x48x192xf32> to vector<192x192xf32>
    %slice3A = vector.extract_strided_slice %get3A_2 {offsets = [0, 0, 0], sizes = [1, 192, 192], strides = [1, 1, 1]} : vector<4x192x192xf32> to vector<1x192x192xf32>
    %squeeze3A = vector.shape_cast %slice3A : vector<1x192x192xf32> to vector<192x192xf32>
    %slice3A_104 = vector.extract_strided_slice %get3A_9 {offsets = [0, 0, 0], sizes = [1, 192, 2], strides = [1, 1, 1]} : vector<2x192x2xf32> to vector<1x192x2xf32>
    %squeeze3A_105 = vector.shape_cast %slice3A_104 : vector<1x192x2xf32> to vector<192x2xf32>
    %slice3A_106 = vector.extract_strided_slice %get3A_2 {offsets = [1, 0, 0], sizes = [1, 192, 192], strides = [1, 1, 1]} : vector<4x192x192xf32> to vector<1x192x192xf32>
    %squeeze3A_107 = vector.shape_cast %slice3A_106 : vector<1x192x192xf32> to vector<192x192xf32>
    %slice3A_108 = vector.extract_strided_slice %get3A_5 {offsets = [0, 0], sizes = [1, 192], strides = [1, 1]} : vector<6x192xf32> to vector<1x192xf32>
    %slice3A_109 = vector.extract_strided_slice %get3A_5 {offsets = [2, 0], sizes = [1, 192], strides = [1, 1]} : vector<6x192xf32> to vector<1x192xf32>
    %slice3A_110 = vector.extract_strided_slice %get3A_5 {offsets = [3, 0], sizes = [1, 192], strides = [1, 1]} : vector<6x192xf32> to vector<1x192xf32>
    %convert_element_type3A_111 = arith.truncf %reshape3A : vector<1856x192xf32> to vector<1856x192xbf16>
    %convert_element_type3A_112 = arith.truncf %squeeze3A : vector<192x192xf32> to vector<192x192xbf16>
    %dot_general3A_113 = arith.constant dense<0.000000e+00> : vector<1856x192xf32>
    %dot_general3A_114 = tpu.matmul %convert_element_type3A_111, %convert_element_type3A_112, %dot_general3A_113 {dimension_numbers = #tpu.dot_dimension_numbers<[1], [0], [0], [1], [0, 0, 1, 1], [], []>, transpose_lhs_hint = false} : vector<1856x192xbf16>, vector<192x192xbf16>, vector<1856x192xf32> -> vector<1856x192xf32>
    %convert_element_type3A_115 = arith.truncf %dot_general3A_114 : vector<1856x192xf32> to vector<1856x192xbf16>
    %dot_general3A_116 = arith.constant dense<0.000000e+00> : vector<192x2xf32>
    %dot_general3A_117 = tpu.matmul %squeeze3A, %squeeze3A_105, %dot_general3A_116 {dimension_numbers = #tpu.dot_dimension_numbers<[1], [0], [0], [1], [0, 0, 1, 1], [], []>, transpose_lhs_hint = false} : vector<192x192xf32>, vector<192x2xf32>, vector<192x2xf32> -> vector<192x2xf32>
    %dot_general3A_118 = arith.constant dense<0.000000e+00> : vector<1856x2xf32>
    %dot_general3A_119 = tpu.matmul %reshape3A, %dot_general3A_117, %dot_general3A_118 {dimension_numbers = #tpu.dot_dimension_numbers<[1], [0], [0], [1], [0, 0, 1, 1], [], []>, transpose_lhs_hint = false} : vector<1856x192xf32>, vector<192x2xf32>, vector<1856x2xf32> -> vector<1856x2xf32>
    %slice3A_120 = vector.extract_strided_slice %convert_element_type3A_115 {offsets = [0, 0], sizes = [464, 192], strides = [1, 1]} : vector<1856x192xbf16> to vector<464x192xbf16>
    %slice3A_121 = vector.extract_strided_slice %dot_general3A_119 {offsets = [0, 0], sizes = [464, 2], strides = [1, 1]} : vector<1856x2xf32> to vector<464x2xf32>
    %slice3A_122 = vector.extract_strided_slice %slice3A_121 {offsets = [0, 0], sizes = [464, 1], strides = [1, 1]} : vector<464x2xf32> to vector<464x1xf32>
    %slice3A_123 = vector.extract_strided_slice %slice3A_121 {offsets = [0, 1], sizes = [464, 1], strides = [1, 1]} : vector<464x2xf32> to vector<464x1xf32>
    %transpose3A = tpu.transpose %slice3A_123, [1, 0] : vector<464x1xf32> -> vector<1x464xf32>
    %add3A = vector.broadcast %slice3A_122 : vector<464x1xf32> to vector<464x464xf32>
    %add3A_124 = vector.broadcast %transpose3A : vector<1x464xf32> to vector<464x464xf32>
    %add3A_125 = arith.addf %add3A, %add3A_124 : vector<464x464xf32>
    %mul3A = arith.constant 2.000000e-01 : f32
    %mul3A_126 = vector.broadcast %mul3A : f32 to vector<464x464xf32>
    %mul3A_127 = arith.mulf %mul3A_126, %add3A_125 : vector<464x464xf32>
    %max3A = arith.maximumf %add3A_125, %mul3A_127 : vector<464x464xf32>
    %jit3A = arith.constant -1.000000e+09 : f32
    %broadcast_in_dim3A = vector.broadcast %jit3A : f32 to vector<464x464xf32>
    %select_n3A = arith.select %gt3A_23, %max3A, %broadcast_in_dim3A : vector<464x464xi1>, vector<464x464xf32>
    %reduce_max3A = arith.constant dense<0xFF800000> : vector<464xf32>
    %reduce_max3A_128 = vector.multi_reduction <maximumf>, %select_n3A, %reduce_max3A [1] : vector<464x464xf32> to vector<464xf32>
    %broadcast_in_dim3A_129 = vector.shape_cast %reduce_max3A_128 : vector<464xf32> to vector<464x1xf32>
    %sub3A = vector.broadcast %broadcast_in_dim3A_129 : vector<464x1xf32> to vector<464x464xf32>
    %sub3A_130 = arith.subf %select_n3A, %sub3A : vector<464x464xf32>
    %exp3A = math.exp %sub3A_130 : vector<464x464xf32>
    %reduce_sum3A = arith.constant dense<0.000000e+00> : vector<464xf32>
    %reduce_sum3A_131 = vector.multi_reduction <add>, %exp3A, %reduce_sum3A [1] : vector<464x464xf32> to vector<464xf32>
    %broadcast_in_dim3A_132 = vector.shape_cast %reduce_sum3A_131 : vector<464xf32> to vector<464x1xf32>
    %convert_element_type3A_133 = arith.truncf %exp3A : vector<464x464xf32> to vector<464x464xbf16>
    %dot_general3A_134 = arith.constant dense<0.000000e+00> : vector<464x192xf32>
    %dot_general3A_135 = tpu.matmul %convert_element_type3A_133, %slice3A_120, %dot_general3A_134 {dimension_numbers = #tpu.dot_dimension_numbers<[1], [0], [0], [1], [0, 0, 1, 1], [], []>, transpose_lhs_hint = false} : vector<464x464xbf16>, vector<464x192xbf16>, vector<464x192xf32> -> vector<464x192xf32>
    %reduce_or3A = arith.constant 1.000000e+00 : f32
    %reduce_or3A_136 = arith.constant 0.000000e+00 : f32
    %reduce_or3A_137 = vector.broadcast %reduce_or3A : f32 to vector<464x464xf32>
    %reduce_or3A_138 = vector.broadcast %reduce_or3A_136 : f32 to vector<464x464xf32>
    %reduce_or3A_139 = arith.select %gt3A_23, %reduce_or3A_137, %reduce_or3A_138 : vector<464x464xi1>, vector<464x464xf32>
    %reduce_or3A_140 = arith.constant dense<0xFF800000> : vector<464xf32>
    %reduce_or3A_141 = vector.multi_reduction <maximumf>, %reduce_or3A_139, %reduce_or3A_140 [1] : vector<464x464xf32> to vector<464xf32>
    %reduce_or3A_142 = arith.constant 0.000000e+00 : f32
    %reduce_or3A_143 = vector.broadcast %reduce_or3A_142 : f32 to vector<464xf32>
    %reduce_or3A_144 = arith.cmpf ogt, %reduce_or3A_141, %reduce_or3A_143 : vector<464xf32>
    %broadcast_in_dim3A_145 = vector.shape_cast %reduce_or3A_144 : vector<464xi1> to vector<464x1xi1>
    %div3A = arith.constant 1.000000e+00 : f32
    %div3A_146 = vector.broadcast %div3A : f32 to vector<464x1xf32>
    %div3A_147 = arith.divf %div3A_146, %broadcast_in_dim3A_132 : vector<464x1xf32>
    %mul3A_148 = vector.broadcast %div3A_147 : vector<464x1xf32> to vector<464x192xf32>
    %mul3A_149 = arith.mulf %dot_general3A_135, %mul3A_148 : vector<464x192xf32>
    %jit3A_150 = arith.constant 0.000000e+00 : f32
    %broadcast_in_dim3A_151 = vector.shape_cast %broadcast_in_dim3A_145 : vector<464x1xi1> to vector<464x1xi1>
    %broadcast_in_dim3A_152 = vector.broadcast %broadcast_in_dim3A_151 : vector<464x1xi1> to vector<464x192xi1>
    %broadcast_in_dim3A_153 = vector.broadcast %jit3A_150 : f32 to vector<464x192xf32>
    %select_n3A_154 = arith.select %broadcast_in_dim3A_152, %mul3A_149, %broadcast_in_dim3A_153 : vector<464x192xi1>, vector<464x192xf32>
    %slice3A_155 = vector.extract_strided_slice %convert_element_type3A_115 {offsets = [464, 0], sizes = [464, 192], strides = [1, 1]} : vector<1856x192xbf16> to vector<464x192xbf16>
    %slice3A_156 = vector.extract_strided_slice %dot_general3A_119 {offsets = [464, 0], sizes = [464, 2], strides = [1, 1]} : vector<1856x2xf32> to vector<464x2xf32>
    %slice3A_157 = vector.extract_strided_slice %slice3A_156 {offsets = [0, 0], sizes = [464, 1], strides = [1, 1]} : vector<464x2xf32> to vector<464x1xf32>
    %slice3A_158 = vector.extract_strided_slice %slice3A_156 {offsets = [0, 1], sizes = [464, 1], strides = [1, 1]} : vector<464x2xf32> to vector<464x1xf32>
    %transpose3A_159 = tpu.transpose %slice3A_158, [1, 0] : vector<464x1xf32> -> vector<1x464xf32>
    %add3A_160 = vector.broadcast %slice3A_157 : vector<464x1xf32> to vector<464x464xf32>
    %add3A_161 = vector.broadcast %transpose3A_159 : vector<1x464xf32> to vector<464x464xf32>
    %add3A_162 = arith.addf %add3A_160, %add3A_161 : vector<464x464xf32>
    %mul3A_163 = arith.constant 2.000000e-01 : f32
    %mul3A_164 = vector.broadcast %mul3A_163 : f32 to vector<464x464xf32>
    %mul3A_165 = arith.mulf %mul3A_164, %add3A_162 : vector<464x464xf32>
    %max3A_166 = arith.maximumf %add3A_162, %mul3A_165 : vector<464x464xf32>
    %jit3A_167 = arith.constant -1.000000e+09 : f32
    %broadcast_in_dim3A_168 = vector.broadcast %jit3A_167 : f32 to vector<464x464xf32>
    %select_n3A_169 = arith.select %gt3A_45, %max3A_166, %broadcast_in_dim3A_168 : vector<464x464xi1>, vector<464x464xf32>
    %reduce_max3A_170 = arith.constant dense<0xFF800000> : vector<464xf32>
    %reduce_max3A_171 = vector.multi_reduction <maximumf>, %select_n3A_169, %reduce_max3A_170 [1] : vector<464x464xf32> to vector<464xf32>
    %broadcast_in_dim3A_172 = vector.shape_cast %reduce_max3A_171 : vector<464xf32> to vector<464x1xf32>
    %sub3A_173 = vector.broadcast %broadcast_in_dim3A_172 : vector<464x1xf32> to vector<464x464xf32>
    %sub3A_174 = arith.subf %select_n3A_169, %sub3A_173 : vector<464x464xf32>
    %exp3A_175 = math.exp %sub3A_174 : vector<464x464xf32>
    %reduce_sum3A_176 = arith.constant dense<0.000000e+00> : vector<464xf32>
    %reduce_sum3A_177 = vector.multi_reduction <add>, %exp3A_175, %reduce_sum3A_176 [1] : vector<464x464xf32> to vector<464xf32>
    %broadcast_in_dim3A_178 = vector.shape_cast %reduce_sum3A_177 : vector<464xf32> to vector<464x1xf32>
    %convert_element_type3A_179 = arith.truncf %exp3A_175 : vector<464x464xf32> to vector<464x464xbf16>
    %dot_general3A_180 = arith.constant dense<0.000000e+00> : vector<464x192xf32>
    %dot_general3A_181 = tpu.matmul %convert_element_type3A_179, %slice3A_155, %dot_general3A_180 {dimension_numbers = #tpu.dot_dimension_numbers<[1], [0], [0], [1], [0, 0, 1, 1], [], []>, transpose_lhs_hint = false} : vector<464x464xbf16>, vector<464x192xbf16>, vector<464x192xf32> -> vector<464x192xf32>
    %reduce_or3A_182 = arith.constant 1.000000e+00 : f32
    %reduce_or3A_183 = arith.constant 0.000000e+00 : f32
    %reduce_or3A_184 = vector.broadcast %reduce_or3A_182 : f32 to vector<464x464xf32>
    %reduce_or3A_185 = vector.broadcast %reduce_or3A_183 : f32 to vector<464x464xf32>
    %reduce_or3A_186 = arith.select %gt3A_45, %reduce_or3A_184, %reduce_or3A_185 : vector<464x464xi1>, vector<464x464xf32>
    %reduce_or3A_187 = arith.constant dense<0xFF800000> : vector<464xf32>
    %reduce_or3A_188 = vector.multi_reduction <maximumf>, %reduce_or3A_186, %reduce_or3A_187 [1] : vector<464x464xf32> to vector<464xf32>
    %reduce_or3A_189 = arith.constant 0.000000e+00 : f32
    %reduce_or3A_190 = vector.broadcast %reduce_or3A_189 : f32 to vector<464xf32>
    %reduce_or3A_191 = arith.cmpf ogt, %reduce_or3A_188, %reduce_or3A_190 : vector<464xf32>
    %broadcast_in_dim3A_192 = vector.shape_cast %reduce_or3A_191 : vector<464xi1> to vector<464x1xi1>
    %div3A_193 = arith.constant 1.000000e+00 : f32
    %div3A_194 = vector.broadcast %div3A_193 : f32 to vector<464x1xf32>
    %div3A_195 = arith.divf %div3A_194, %broadcast_in_dim3A_178 : vector<464x1xf32>
    %mul3A_196 = vector.broadcast %div3A_195 : vector<464x1xf32> to vector<464x192xf32>
    %mul3A_197 = arith.mulf %dot_general3A_181, %mul3A_196 : vector<464x192xf32>
    %jit3A_198 = arith.constant 0.000000e+00 : f32
    %broadcast_in_dim3A_199 = vector.shape_cast %broadcast_in_dim3A_192 : vector<464x1xi1> to vector<464x1xi1>
    %broadcast_in_dim3A_200 = vector.broadcast %broadcast_in_dim3A_199 : vector<464x1xi1> to vector<464x192xi1>
    %broadcast_in_dim3A_201 = vector.broadcast %jit3A_198 : f32 to vector<464x192xf32>
    %select_n3A_202 = arith.select %broadcast_in_dim3A_200, %mul3A_197, %broadcast_in_dim3A_201 : vector<464x192xi1>, vector<464x192xf32>
    %slice3A_203 = vector.extract_strided_slice %convert_element_type3A_115 {offsets = [928, 0], sizes = [464, 192], strides = [1, 1]} : vector<1856x192xbf16> to vector<464x192xbf16>
    %slice3A_204 = vector.extract_strided_slice %dot_general3A_119 {offsets = [928, 0], sizes = [464, 2], strides = [1, 1]} : vector<1856x2xf32> to vector<464x2xf32>
    %slice3A_205 = vector.extract_strided_slice %slice3A_204 {offsets = [0, 0], sizes = [464, 1], strides = [1, 1]} : vector<464x2xf32> to vector<464x1xf32>
    %slice3A_206 = vector.extract_strided_slice %slice3A_204 {offsets = [0, 1], sizes = [464, 1], strides = [1, 1]} : vector<464x2xf32> to vector<464x1xf32>
    %transpose3A_207 = tpu.transpose %slice3A_206, [1, 0] : vector<464x1xf32> -> vector<1x464xf32>
    %add3A_208 = vector.broadcast %slice3A_205 : vector<464x1xf32> to vector<464x464xf32>
    %add3A_209 = vector.broadcast %transpose3A_207 : vector<1x464xf32> to vector<464x464xf32>
    %add3A_210 = arith.addf %add3A_208, %add3A_209 : vector<464x464xf32>
    %mul3A_211 = arith.constant 2.000000e-01 : f32
    %mul3A_212 = vector.broadcast %mul3A_211 : f32 to vector<464x464xf32>
    %mul3A_213 = arith.mulf %mul3A_212, %add3A_210 : vector<464x464xf32>
    %max3A_214 = arith.maximumf %add3A_210, %mul3A_213 : vector<464x464xf32>
    %jit3A_215 = arith.constant -1.000000e+09 : f32
    %broadcast_in_dim3A_216 = vector.broadcast %jit3A_215 : f32 to vector<464x464xf32>
    %select_n3A_217 = arith.select %gt3A_67, %max3A_214, %broadcast_in_dim3A_216 : vector<464x464xi1>, vector<464x464xf32>
    %reduce_max3A_218 = arith.constant dense<0xFF800000> : vector<464xf32>
    %reduce_max3A_219 = vector.multi_reduction <maximumf>, %select_n3A_217, %reduce_max3A_218 [1] : vector<464x464xf32> to vector<464xf32>
    %broadcast_in_dim3A_220 = vector.shape_cast %reduce_max3A_219 : vector<464xf32> to vector<464x1xf32>
    %sub3A_221 = vector.broadcast %broadcast_in_dim3A_220 : vector<464x1xf32> to vector<464x464xf32>
    %sub3A_222 = arith.subf %select_n3A_217, %sub3A_221 : vector<464x464xf32>
    %exp3A_223 = math.exp %sub3A_222 : vector<464x464xf32>
    %reduce_sum3A_224 = arith.constant dense<0.000000e+00> : vector<464xf32>
    %reduce_sum3A_225 = vector.multi_reduction <add>, %exp3A_223, %reduce_sum3A_224 [1] : vector<464x464xf32> to vector<464xf32>
    %broadcast_in_dim3A_226 = vector.shape_cast %reduce_sum3A_225 : vector<464xf32> to vector<464x1xf32>
    %convert_element_type3A_227 = arith.truncf %exp3A_223 : vector<464x464xf32> to vector<464x464xbf16>
    %dot_general3A_228 = arith.constant dense<0.000000e+00> : vector<464x192xf32>
    %dot_general3A_229 = tpu.matmul %convert_element_type3A_227, %slice3A_203, %dot_general3A_228 {dimension_numbers = #tpu.dot_dimension_numbers<[1], [0], [0], [1], [0, 0, 1, 1], [], []>, transpose_lhs_hint = false} : vector<464x464xbf16>, vector<464x192xbf16>, vector<464x192xf32> -> vector<464x192xf32>
    %reduce_or3A_230 = arith.constant 1.000000e+00 : f32
    %reduce_or3A_231 = arith.constant 0.000000e+00 : f32
    %reduce_or3A_232 = vector.broadcast %reduce_or3A_230 : f32 to vector<464x464xf32>
    %reduce_or3A_233 = vector.broadcast %reduce_or3A_231 : f32 to vector<464x464xf32>
    %reduce_or3A_234 = arith.select %gt3A_67, %reduce_or3A_232, %reduce_or3A_233 : vector<464x464xi1>, vector<464x464xf32>
    %reduce_or3A_235 = arith.constant dense<0xFF800000> : vector<464xf32>
    %reduce_or3A_236 = vector.multi_reduction <maximumf>, %reduce_or3A_234, %reduce_or3A_235 [1] : vector<464x464xf32> to vector<464xf32>
    %reduce_or3A_237 = arith.constant 0.000000e+00 : f32
    %reduce_or3A_238 = vector.broadcast %reduce_or3A_237 : f32 to vector<464xf32>
    %reduce_or3A_239 = arith.cmpf ogt, %reduce_or3A_236, %reduce_or3A_238 : vector<464xf32>
    %broadcast_in_dim3A_240 = vector.shape_cast %reduce_or3A_239 : vector<464xi1> to vector<464x1xi1>
    %div3A_241 = arith.constant 1.000000e+00 : f32
    %div3A_242 = vector.broadcast %div3A_241 : f32 to vector<464x1xf32>
    %div3A_243 = arith.divf %div3A_242, %broadcast_in_dim3A_226 : vector<464x1xf32>
    %mul3A_244 = vector.broadcast %div3A_243 : vector<464x1xf32> to vector<464x192xf32>
    %mul3A_245 = arith.mulf %dot_general3A_229, %mul3A_244 : vector<464x192xf32>
    %jit3A_246 = arith.constant 0.000000e+00 : f32
    %broadcast_in_dim3A_247 = vector.shape_cast %broadcast_in_dim3A_240 : vector<464x1xi1> to vector<464x1xi1>
    %broadcast_in_dim3A_248 = vector.broadcast %broadcast_in_dim3A_247 : vector<464x1xi1> to vector<464x192xi1>
    %broadcast_in_dim3A_249 = vector.broadcast %jit3A_246 : f32 to vector<464x192xf32>
    %select_n3A_250 = arith.select %broadcast_in_dim3A_248, %mul3A_245, %broadcast_in_dim3A_249 : vector<464x192xi1>, vector<464x192xf32>
    %slice3A_251 = vector.extract_strided_slice %convert_element_type3A_115 {offsets = [1392, 0], sizes = [464, 192], strides = [1, 1]} : vector<1856x192xbf16> to vector<464x192xbf16>
    %slice3A_252 = vector.extract_strided_slice %dot_general3A_119 {offsets = [1392, 0], sizes = [464, 2], strides = [1, 1]} : vector<1856x2xf32> to vector<464x2xf32>
    %slice3A_253 = vector.extract_strided_slice %slice3A_252 {offsets = [0, 0], sizes = [464, 1], strides = [1, 1]} : vector<464x2xf32> to vector<464x1xf32>
    %slice3A_254 = vector.extract_strided_slice %slice3A_252 {offsets = [0, 1], sizes = [464, 1], strides = [1, 1]} : vector<464x2xf32> to vector<464x1xf32>
    %transpose3A_255 = tpu.transpose %slice3A_254, [1, 0] : vector<464x1xf32> -> vector<1x464xf32>
    %add3A_256 = vector.broadcast %slice3A_253 : vector<464x1xf32> to vector<464x464xf32>
    %add3A_257 = vector.broadcast %transpose3A_255 : vector<1x464xf32> to vector<464x464xf32>
    %add3A_258 = arith.addf %add3A_256, %add3A_257 : vector<464x464xf32>
    %mul3A_259 = arith.constant 2.000000e-01 : f32
    %mul3A_260 = vector.broadcast %mul3A_259 : f32 to vector<464x464xf32>
    %mul3A_261 = arith.mulf %mul3A_260, %add3A_258 : vector<464x464xf32>
    %max3A_262 = arith.maximumf %add3A_258, %mul3A_261 : vector<464x464xf32>
    %jit3A_263 = arith.constant -1.000000e+09 : f32
    %broadcast_in_dim3A_264 = vector.broadcast %jit3A_263 : f32 to vector<464x464xf32>
    %select_n3A_265 = arith.select %gt3A_89, %max3A_262, %broadcast_in_dim3A_264 : vector<464x464xi1>, vector<464x464xf32>
    %reduce_max3A_266 = arith.constant dense<0xFF800000> : vector<464xf32>
    %reduce_max3A_267 = vector.multi_reduction <maximumf>, %select_n3A_265, %reduce_max3A_266 [1] : vector<464x464xf32> to vector<464xf32>
    %broadcast_in_dim3A_268 = vector.shape_cast %reduce_max3A_267 : vector<464xf32> to vector<464x1xf32>
    %sub3A_269 = vector.broadcast %broadcast_in_dim3A_268 : vector<464x1xf32> to vector<464x464xf32>
    %sub3A_270 = arith.subf %select_n3A_265, %sub3A_269 : vector<464x464xf32>
    %exp3A_271 = math.exp %sub3A_270 : vector<464x464xf32>
    %reduce_sum3A_272 = arith.constant dense<0.000000e+00> : vector<464xf32>
    %reduce_sum3A_273 = vector.multi_reduction <add>, %exp3A_271, %reduce_sum3A_272 [1] : vector<464x464xf32> to vector<464xf32>
    %broadcast_in_dim3A_274 = vector.shape_cast %reduce_sum3A_273 : vector<464xf32> to vector<464x1xf32>
    %convert_element_type3A_275 = arith.truncf %exp3A_271 : vector<464x464xf32> to vector<464x464xbf16>
    %dot_general3A_276 = arith.constant dense<0.000000e+00> : vector<464x192xf32>
    %dot_general3A_277 = tpu.matmul %convert_element_type3A_275, %slice3A_251, %dot_general3A_276 {dimension_numbers = #tpu.dot_dimension_numbers<[1], [0], [0], [1], [0, 0, 1, 1], [], []>, transpose_lhs_hint = false} : vector<464x464xbf16>, vector<464x192xbf16>, vector<464x192xf32> -> vector<464x192xf32>
    %reduce_or3A_278 = arith.constant 1.000000e+00 : f32
    %reduce_or3A_279 = arith.constant 0.000000e+00 : f32
    %reduce_or3A_280 = vector.broadcast %reduce_or3A_278 : f32 to vector<464x464xf32>
    %reduce_or3A_281 = vector.broadcast %reduce_or3A_279 : f32 to vector<464x464xf32>
    %reduce_or3A_282 = arith.select %gt3A_89, %reduce_or3A_280, %reduce_or3A_281 : vector<464x464xi1>, vector<464x464xf32>
    %reduce_or3A_283 = arith.constant dense<0xFF800000> : vector<464xf32>
    %reduce_or3A_284 = vector.multi_reduction <maximumf>, %reduce_or3A_282, %reduce_or3A_283 [1] : vector<464x464xf32> to vector<464xf32>
    %reduce_or3A_285 = arith.constant 0.000000e+00 : f32
    %reduce_or3A_286 = vector.broadcast %reduce_or3A_285 : f32 to vector<464xf32>
    %reduce_or3A_287 = arith.cmpf ogt, %reduce_or3A_284, %reduce_or3A_286 : vector<464xf32>
    %broadcast_in_dim3A_288 = vector.shape_cast %reduce_or3A_287 : vector<464xi1> to vector<464x1xi1>
    %div3A_289 = arith.constant 1.000000e+00 : f32
    %div3A_290 = vector.broadcast %div3A_289 : f32 to vector<464x1xf32>
    %div3A_291 = arith.divf %div3A_290, %broadcast_in_dim3A_274 : vector<464x1xf32>
    %mul3A_292 = vector.broadcast %div3A_291 : vector<464x1xf32> to vector<464x192xf32>
    %mul3A_293 = arith.mulf %dot_general3A_277, %mul3A_292 : vector<464x192xf32>
    %jit3A_294 = arith.constant 0.000000e+00 : f32
    %broadcast_in_dim3A_295 = vector.shape_cast %broadcast_in_dim3A_288 : vector<464x1xi1> to vector<464x1xi1>
    %broadcast_in_dim3A_296 = vector.broadcast %broadcast_in_dim3A_295 : vector<464x1xi1> to vector<464x192xi1>
    %broadcast_in_dim3A_297 = vector.broadcast %jit3A_294 : f32 to vector<464x192xf32>
    %select_n3A_298 = arith.select %broadcast_in_dim3A_296, %mul3A_293, %broadcast_in_dim3A_297 : vector<464x192xi1>, vector<464x192xf32>
    %concatenate3A = tpu.concatenate %select_n3A_154, %select_n3A_202, %select_n3A_250, %select_n3A_298 in 0 : vector<464x192xf32>, vector<464x192xf32>, vector<464x192xf32>, vector<464x192xf32> -> vector<1856x192xf32>
    %gt3A_299 = arith.constant 0.000000e+00 : f32
    %gt3A_300 = vector.broadcast %gt3A_299 : f32 to vector<1856x192xf32>
    %gt3A_301 = arith.cmpf ogt, %concatenate3A, %gt3A_300 : vector<1856x192xf32>
    %min3A = arith.constant 0.000000e+00 : f32
    %min3A_302 = vector.broadcast %min3A : f32 to vector<1856x192xf32>
    %min3A_303 = arith.minimumf %concatenate3A, %min3A_302 : vector<1856x192xf32>
    %exp3A_304 = math.exp %min3A_303 : vector<1856x192xf32>
    %sub3A_305 = arith.constant 1.000000e+00 : f32
    %sub3A_306 = vector.broadcast %sub3A_305 : f32 to vector<1856x192xf32>
    %sub3A_307 = arith.subf %exp3A_304, %sub3A_306 : vector<1856x192xf32>
    %select_n3A_308 = arith.select %gt3A_301, %concatenate3A, %sub3A_307 : vector<1856x192xi1>, vector<1856x192xf32>
    %convert_element_type3A_309 = arith.truncf %select_n3A_308 : vector<1856x192xf32> to vector<1856x192xbf16>
    %convert_element_type3A_310 = arith.truncf %squeeze3A_107 : vector<192x192xf32> to vector<192x192xbf16>
    %dot_general3A_311 = arith.constant dense<0.000000e+00> : vector<1856x192xf32>
    %dot_general3A_312 = tpu.matmul %convert_element_type3A_309, %convert_element_type3A_310, %dot_general3A_311 {dimension_numbers = #tpu.dot_dimension_numbers<[1], [0], [0], [1], [0, 0, 1, 1], [], []>, transpose_lhs_hint = false} : vector<1856x192xbf16>, vector<192x192xbf16>, vector<1856x192xf32> -> vector<1856x192xf32>
    %add3A_313 = vector.broadcast %slice3A_108 : vector<1x192xf32> to vector<1856x192xf32>
    %add3A_314 = arith.addf %dot_general3A_312, %add3A_313 : vector<1856x192xf32>
    %reduce_sum3A_315 = arith.constant dense<0.000000e+00> : vector<1856xf32>
    %reduce_sum3A_316 = vector.multi_reduction <add>, %add3A_314, %reduce_sum3A_315 [1] : vector<1856x192xf32> to vector<1856xf32>
    %broadcast_in_dim3A_317 = vector.shape_cast %reduce_sum3A_316 : vector<1856xf32> to vector<1856x1xf32>
    %div3A_318 = arith.constant 1.920000e+02 : f32
    %div3A_319 = vector.broadcast %div3A_318 : f32 to vector<1856x1xf32>
    %div3A_320 = arith.divf %broadcast_in_dim3A_317, %div3A_319 : vector<1856x1xf32>
    %sub3A_321 = vector.broadcast %div3A_320 : vector<1856x1xf32> to vector<1856x192xf32>
    %sub3A_322 = arith.subf %add3A_314, %sub3A_321 : vector<1856x192xf32>
    %mul3A_323 = arith.mulf %sub3A_322, %sub3A_322 : vector<1856x192xf32>
    %reduce_sum3A_324 = arith.constant dense<0.000000e+00> : vector<1856xf32>
    %reduce_sum3A_325 = vector.multi_reduction <add>, %mul3A_323, %reduce_sum3A_324 [1] : vector<1856x192xf32> to vector<1856xf32>
    %broadcast_in_dim3A_326 = vector.shape_cast %reduce_sum3A_325 : vector<1856xf32> to vector<1856x1xf32>
    %div3A_327 = arith.constant 1.920000e+02 : f32
    %div3A_328 = vector.broadcast %div3A_327 : f32 to vector<1856x1xf32>
    %div3A_329 = arith.divf %broadcast_in_dim3A_326, %div3A_328 : vector<1856x1xf32>
    %add3A_330 = arith.constant 9.99999974E-6 : f32
    %add3A_331 = vector.broadcast %add3A_330 : f32 to vector<1856x1xf32>
    %add3A_332 = arith.addf %div3A_329, %add3A_331 : vector<1856x1xf32>
    %rsqrt3A = math.rsqrt %add3A_332 : vector<1856x1xf32>
    %mul3A_333 = vector.broadcast %rsqrt3A : vector<1856x1xf32> to vector<1856x192xf32>
    %mul3A_334 = arith.mulf %sub3A_322, %mul3A_333 : vector<1856x192xf32>
    %mul3A_335 = vector.broadcast %slice3A_109 : vector<1x192xf32> to vector<1856x192xf32>
    %mul3A_336 = arith.mulf %mul3A_334, %mul3A_335 : vector<1856x192xf32>
    %add3A_337 = vector.broadcast %slice3A_110 : vector<1x192xf32> to vector<1856x192xf32>
    %add3A_338 = arith.addf %mul3A_336, %add3A_337 : vector<1856x192xf32>
    %slice3A_339 = vector.extract_strided_slice %get3A_2 {offsets = [2, 0, 0], sizes = [1, 192, 192], strides = [1, 1, 1]} : vector<4x192x192xf32> to vector<1x192x192xf32>
    %squeeze3A_340 = vector.shape_cast %slice3A_339 : vector<1x192x192xf32> to vector<192x192xf32>
    %slice3A_341 = vector.extract_strided_slice %get3A_9 {offsets = [1, 0, 0], sizes = [1, 192, 2], strides = [1, 1, 1]} : vector<2x192x2xf32> to vector<1x192x2xf32>
    %squeeze3A_342 = vector.shape_cast %slice3A_341 : vector<1x192x2xf32> to vector<192x2xf32>
    %slice3A_343 = vector.extract_strided_slice %get3A_2 {offsets = [3, 0, 0], sizes = [1, 192, 192], strides = [1, 1, 1]} : vector<4x192x192xf32> to vector<1x192x192xf32>
    %squeeze3A_344 = vector.shape_cast %slice3A_343 : vector<1x192x192xf32> to vector<192x192xf32>
    %slice3A_345 = vector.extract_strided_slice %get3A_5 {offsets = [1, 0], sizes = [1, 192], strides = [1, 1]} : vector<6x192xf32> to vector<1x192xf32>
    %slice3A_346 = vector.extract_strided_slice %get3A_5 {offsets = [4, 0], sizes = [1, 192], strides = [1, 1]} : vector<6x192xf32> to vector<1x192xf32>
    %slice3A_347 = vector.extract_strided_slice %get3A_5 {offsets = [5, 0], sizes = [1, 192], strides = [1, 1]} : vector<6x192xf32> to vector<1x192xf32>
    %convert_element_type3A_348 = arith.truncf %reshape3A_103 : vector<192x192xf32> to vector<192x192xbf16>
    %convert_element_type3A_349 = arith.truncf %squeeze3A_340 : vector<192x192xf32> to vector<192x192xbf16>
    %dot_general3A_350 = arith.constant dense<0.000000e+00> : vector<192x192xf32>
    %dot_general3A_351 = tpu.matmul %convert_element_type3A_348, %convert_element_type3A_349, %dot_general3A_350 {dimension_numbers = #tpu.dot_dimension_numbers<[1], [0], [0], [1], [0, 0, 1, 1], [], []>, transpose_lhs_hint = false} : vector<192x192xbf16>, vector<192x192xbf16>, vector<192x192xf32> -> vector<192x192xf32>
    %convert_element_type3A_352 = arith.truncf %dot_general3A_351 : vector<192x192xf32> to vector<192x192xbf16>
    %dot_general3A_353 = arith.constant dense<0.000000e+00> : vector<192x2xf32>
    %dot_general3A_354 = tpu.matmul %squeeze3A_340, %squeeze3A_342, %dot_general3A_353 {dimension_numbers = #tpu.dot_dimension_numbers<[1], [0], [0], [1], [0, 0, 1, 1], [], []>, transpose_lhs_hint = false} : vector<192x192xf32>, vector<192x2xf32>, vector<192x2xf32> -> vector<192x2xf32>
    %dot_general3A_355 = arith.constant dense<0.000000e+00> : vector<192x2xf32>
    %dot_general3A_356 = tpu.matmul %reshape3A_103, %dot_general3A_354, %dot_general3A_355 {dimension_numbers = #tpu.dot_dimension_numbers<[1], [0], [0], [1], [0, 0, 1, 1], [], []>, transpose_lhs_hint = false} : vector<192x192xf32>, vector<192x2xf32>, vector<192x2xf32> -> vector<192x2xf32>
    %slice3A_357 = vector.extract_strided_slice %convert_element_type3A_352 {offsets = [0, 0], sizes = [48, 192], strides = [1, 1]} : vector<192x192xbf16> to vector<48x192xbf16>
    %slice3A_358 = vector.extract_strided_slice %dot_general3A_356 {offsets = [0, 0], sizes = [48, 2], strides = [1, 1]} : vector<192x2xf32> to vector<48x2xf32>
    %slice3A_359 = vector.extract_strided_slice %slice3A_358 {offsets = [0, 0], sizes = [48, 1], strides = [1, 1]} : vector<48x2xf32> to vector<48x1xf32>
    %slice3A_360 = vector.extract_strided_slice %slice3A_358 {offsets = [0, 1], sizes = [48, 1], strides = [1, 1]} : vector<48x2xf32> to vector<48x1xf32>
    %transpose3A_361 = tpu.transpose %slice3A_360, [1, 0] : vector<48x1xf32> -> vector<1x48xf32>
    %add3A_362 = vector.broadcast %slice3A_359 : vector<48x1xf32> to vector<48x48xf32>
    %add3A_363 = vector.broadcast %transpose3A_361 : vector<1x48xf32> to vector<48x48xf32>
    %add3A_364 = arith.addf %add3A_362, %add3A_363 : vector<48x48xf32>
    %mul3A_365 = arith.constant 2.000000e-01 : f32
    %mul3A_366 = vector.broadcast %mul3A_365 : f32 to vector<48x48xf32>
    %mul3A_367 = arith.mulf %mul3A_366, %add3A_364 : vector<48x48xf32>
    %max3A_368 = arith.maximumf %add3A_364, %mul3A_367 : vector<48x48xf32>
    %jit3A_369 = arith.constant -1.000000e+09 : f32
    %broadcast_in_dim3A_370 = vector.broadcast %jit3A_369 : f32 to vector<48x48xf32>
    %select_n3A_371 = arith.select %gt3A_28, %max3A_368, %broadcast_in_dim3A_370 : vector<48x48xi1>, vector<48x48xf32>
    %reduce_max3A_372 = arith.constant dense<0xFF800000> : vector<48xf32>
    %reduce_max3A_373 = vector.multi_reduction <maximumf>, %select_n3A_371, %reduce_max3A_372 [1] : vector<48x48xf32> to vector<48xf32>
    %broadcast_in_dim3A_374 = vector.shape_cast %reduce_max3A_373 : vector<48xf32> to vector<48x1xf32>
    %sub3A_375 = vector.broadcast %broadcast_in_dim3A_374 : vector<48x1xf32> to vector<48x48xf32>
    %sub3A_376 = arith.subf %select_n3A_371, %sub3A_375 : vector<48x48xf32>
    %exp3A_377 = math.exp %sub3A_376 : vector<48x48xf32>
    %reduce_sum3A_378 = arith.constant dense<0.000000e+00> : vector<48xf32>
    %reduce_sum3A_379 = vector.multi_reduction <add>, %exp3A_377, %reduce_sum3A_378 [1] : vector<48x48xf32> to vector<48xf32>
    %broadcast_in_dim3A_380 = vector.shape_cast %reduce_sum3A_379 : vector<48xf32> to vector<48x1xf32>
    %convert_element_type3A_381 = arith.truncf %exp3A_377 : vector<48x48xf32> to vector<48x48xbf16>
    %dot_general3A_382 = arith.constant dense<0.000000e+00> : vector<48x192xf32>
    %dot_general3A_383 = tpu.matmul %convert_element_type3A_381, %slice3A_357, %dot_general3A_382 {dimension_numbers = #tpu.dot_dimension_numbers<[1], [0], [0], [1], [0, 0, 1, 1], [], []>, transpose_lhs_hint = false} : vector<48x48xbf16>, vector<48x192xbf16>, vector<48x192xf32> -> vector<48x192xf32>
    %reduce_or3A_384 = arith.constant 1.000000e+00 : f32
    %reduce_or3A_385 = arith.constant 0.000000e+00 : f32
    %reduce_or3A_386 = vector.broadcast %reduce_or3A_384 : f32 to vector<48x48xf32>
    %reduce_or3A_387 = vector.broadcast %reduce_or3A_385 : f32 to vector<48x48xf32>
    %reduce_or3A_388 = arith.select %gt3A_28, %reduce_or3A_386, %reduce_or3A_387 : vector<48x48xi1>, vector<48x48xf32>
    %reduce_or3A_389 = arith.constant dense<0xFF800000> : vector<48xf32>
    %reduce_or3A_390 = vector.multi_reduction <maximumf>, %reduce_or3A_388, %reduce_or3A_389 [1] : vector<48x48xf32> to vector<48xf32>
    %reduce_or3A_391 = arith.constant 0.000000e+00 : f32
    %reduce_or3A_392 = vector.broadcast %reduce_or3A_391 : f32 to vector<48xf32>
    %reduce_or3A_393 = arith.cmpf ogt, %reduce_or3A_390, %reduce_or3A_392 : vector<48xf32>
    %broadcast_in_dim3A_394 = vector.shape_cast %reduce_or3A_393 : vector<48xi1> to vector<48x1xi1>
    %div3A_395 = arith.constant 1.000000e+00 : f32
    %div3A_396 = vector.broadcast %div3A_395 : f32 to vector<48x1xf32>
    %div3A_397 = arith.divf %div3A_396, %broadcast_in_dim3A_380 : vector<48x1xf32>
    %mul3A_398 = vector.broadcast %div3A_397 : vector<48x1xf32> to vector<48x192xf32>
    %mul3A_399 = arith.mulf %dot_general3A_383, %mul3A_398 : vector<48x192xf32>
    %jit3A_400 = arith.constant 0.000000e+00 : f32
    %broadcast_in_dim3A_401 = vector.shape_cast %broadcast_in_dim3A_394 : vector<48x1xi1> to vector<48x1xi1>
    %broadcast_in_dim3A_402 = vector.broadcast %broadcast_in_dim3A_401 : vector<48x1xi1> to vector<48x192xi1>
    %broadcast_in_dim3A_403 = vector.broadcast %jit3A_400 : f32 to vector<48x192xf32>
    %select_n3A_404 = arith.select %broadcast_in_dim3A_402, %mul3A_399, %broadcast_in_dim3A_403 : vector<48x192xi1>, vector<48x192xf32>
    %slice3A_405 = vector.extract_strided_slice %convert_element_type3A_352 {offsets = [48, 0], sizes = [48, 192], strides = [1, 1]} : vector<192x192xbf16> to vector<48x192xbf16>
    %slice3A_406 = vector.extract_strided_slice %dot_general3A_356 {offsets = [48, 0], sizes = [48, 2], strides = [1, 1]} : vector<192x2xf32> to vector<48x2xf32>
    %slice3A_407 = vector.extract_strided_slice %slice3A_406 {offsets = [0, 0], sizes = [48, 1], strides = [1, 1]} : vector<48x2xf32> to vector<48x1xf32>
    %slice3A_408 = vector.extract_strided_slice %slice3A_406 {offsets = [0, 1], sizes = [48, 1], strides = [1, 1]} : vector<48x2xf32> to vector<48x1xf32>
    %transpose3A_409 = tpu.transpose %slice3A_408, [1, 0] : vector<48x1xf32> -> vector<1x48xf32>
    %add3A_410 = vector.broadcast %slice3A_407 : vector<48x1xf32> to vector<48x48xf32>
    %add3A_411 = vector.broadcast %transpose3A_409 : vector<1x48xf32> to vector<48x48xf32>
    %add3A_412 = arith.addf %add3A_410, %add3A_411 : vector<48x48xf32>
    %mul3A_413 = arith.constant 2.000000e-01 : f32
    %mul3A_414 = vector.broadcast %mul3A_413 : f32 to vector<48x48xf32>
    %mul3A_415 = arith.mulf %mul3A_414, %add3A_412 : vector<48x48xf32>
    %max3A_416 = arith.maximumf %add3A_412, %mul3A_415 : vector<48x48xf32>
    %jit3A_417 = arith.constant -1.000000e+09 : f32
    %broadcast_in_dim3A_418 = vector.broadcast %jit3A_417 : f32 to vector<48x48xf32>
    %select_n3A_419 = arith.select %gt3A_50, %max3A_416, %broadcast_in_dim3A_418 : vector<48x48xi1>, vector<48x48xf32>
    %reduce_max3A_420 = arith.constant dense<0xFF800000> : vector<48xf32>
    %reduce_max3A_421 = vector.multi_reduction <maximumf>, %select_n3A_419, %reduce_max3A_420 [1] : vector<48x48xf32> to vector<48xf32>
    %broadcast_in_dim3A_422 = vector.shape_cast %reduce_max3A_421 : vector<48xf32> to vector<48x1xf32>
    %sub3A_423 = vector.broadcast %broadcast_in_dim3A_422 : vector<48x1xf32> to vector<48x48xf32>
    %sub3A_424 = arith.subf %select_n3A_419, %sub3A_423 : vector<48x48xf32>
    %exp3A_425 = math.exp %sub3A_424 : vector<48x48xf32>
    %reduce_sum3A_426 = arith.constant dense<0.000000e+00> : vector<48xf32>
    %reduce_sum3A_427 = vector.multi_reduction <add>, %exp3A_425, %reduce_sum3A_426 [1] : vector<48x48xf32> to vector<48xf32>
    %broadcast_in_dim3A_428 = vector.shape_cast %reduce_sum3A_427 : vector<48xf32> to vector<48x1xf32>
    %convert_element_type3A_429 = arith.truncf %exp3A_425 : vector<48x48xf32> to vector<48x48xbf16>
    %dot_general3A_430 = arith.constant dense<0.000000e+00> : vector<48x192xf32>
    %dot_general3A_431 = tpu.matmul %convert_element_type3A_429, %slice3A_405, %dot_general3A_430 {dimension_numbers = #tpu.dot_dimension_numbers<[1], [0], [0], [1], [0, 0, 1, 1], [], []>, transpose_lhs_hint = false} : vector<48x48xbf16>, vector<48x192xbf16>, vector<48x192xf32> -> vector<48x192xf32>
    %reduce_or3A_432 = arith.constant 1.000000e+00 : f32
    %reduce_or3A_433 = arith.constant 0.000000e+00 : f32
    %reduce_or3A_434 = vector.broadcast %reduce_or3A_432 : f32 to vector<48x48xf32>
    %reduce_or3A_435 = vector.broadcast %reduce_or3A_433 : f32 to vector<48x48xf32>
    %reduce_or3A_436 = arith.select %gt3A_50, %reduce_or3A_434, %reduce_or3A_435 : vector<48x48xi1>, vector<48x48xf32>
    %reduce_or3A_437 = arith.constant dense<0xFF800000> : vector<48xf32>
    %reduce_or3A_438 = vector.multi_reduction <maximumf>, %reduce_or3A_436, %reduce_or3A_437 [1] : vector<48x48xf32> to vector<48xf32>
    %reduce_or3A_439 = arith.constant 0.000000e+00 : f32
    %reduce_or3A_440 = vector.broadcast %reduce_or3A_439 : f32 to vector<48xf32>
    %reduce_or3A_441 = arith.cmpf ogt, %reduce_or3A_438, %reduce_or3A_440 : vector<48xf32>
    %broadcast_in_dim3A_442 = vector.shape_cast %reduce_or3A_441 : vector<48xi1> to vector<48x1xi1>
    %div3A_443 = arith.constant 1.000000e+00 : f32
    %div3A_444 = vector.broadcast %div3A_443 : f32 to vector<48x1xf32>
    %div3A_445 = arith.divf %div3A_444, %broadcast_in_dim3A_428 : vector<48x1xf32>
    %mul3A_446 = vector.broadcast %div3A_445 : vector<48x1xf32> to vector<48x192xf32>
    %mul3A_447 = arith.mulf %dot_general3A_431, %mul3A_446 : vector<48x192xf32>
    %jit3A_448 = arith.constant 0.000000e+00 : f32
    %broadcast_in_dim3A_449 = vector.shape_cast %broadcast_in_dim3A_442 : vector<48x1xi1> to vector<48x1xi1>
    %broadcast_in_dim3A_450 = vector.broadcast %broadcast_in_dim3A_449 : vector<48x1xi1> to vector<48x192xi1>
    %broadcast_in_dim3A_451 = vector.broadcast %jit3A_448 : f32 to vector<48x192xf32>
    %select_n3A_452 = arith.select %broadcast_in_dim3A_450, %mul3A_447, %broadcast_in_dim3A_451 : vector<48x192xi1>, vector<48x192xf32>
    %slice3A_453 = vector.extract_strided_slice %convert_element_type3A_352 {offsets = [96, 0], sizes = [48, 192], strides = [1, 1]} : vector<192x192xbf16> to vector<48x192xbf16>
    %slice3A_454 = vector.extract_strided_slice %dot_general3A_356 {offsets = [96, 0], sizes = [48, 2], strides = [1, 1]} : vector<192x2xf32> to vector<48x2xf32>
    %slice3A_455 = vector.extract_strided_slice %slice3A_454 {offsets = [0, 0], sizes = [48, 1], strides = [1, 1]} : vector<48x2xf32> to vector<48x1xf32>
    %slice3A_456 = vector.extract_strided_slice %slice3A_454 {offsets = [0, 1], sizes = [48, 1], strides = [1, 1]} : vector<48x2xf32> to vector<48x1xf32>
    %transpose3A_457 = tpu.transpose %slice3A_456, [1, 0] : vector<48x1xf32> -> vector<1x48xf32>
    %add3A_458 = vector.broadcast %slice3A_455 : vector<48x1xf32> to vector<48x48xf32>
    %add3A_459 = vector.broadcast %transpose3A_457 : vector<1x48xf32> to vector<48x48xf32>
    %add3A_460 = arith.addf %add3A_458, %add3A_459 : vector<48x48xf32>
    %mul3A_461 = arith.constant 2.000000e-01 : f32
    %mul3A_462 = vector.broadcast %mul3A_461 : f32 to vector<48x48xf32>
    %mul3A_463 = arith.mulf %mul3A_462, %add3A_460 : vector<48x48xf32>
    %max3A_464 = arith.maximumf %add3A_460, %mul3A_463 : vector<48x48xf32>
    %jit3A_465 = arith.constant -1.000000e+09 : f32
    %broadcast_in_dim3A_466 = vector.broadcast %jit3A_465 : f32 to vector<48x48xf32>
    %select_n3A_467 = arith.select %gt3A_72, %max3A_464, %broadcast_in_dim3A_466 : vector<48x48xi1>, vector<48x48xf32>
    %reduce_max3A_468 = arith.constant dense<0xFF800000> : vector<48xf32>
    %reduce_max3A_469 = vector.multi_reduction <maximumf>, %select_n3A_467, %reduce_max3A_468 [1] : vector<48x48xf32> to vector<48xf32>
    %broadcast_in_dim3A_470 = vector.shape_cast %reduce_max3A_469 : vector<48xf32> to vector<48x1xf32>
    %sub3A_471 = vector.broadcast %broadcast_in_dim3A_470 : vector<48x1xf32> to vector<48x48xf32>
    %sub3A_472 = arith.subf %select_n3A_467, %sub3A_471 : vector<48x48xf32>
    %exp3A_473 = math.exp %sub3A_472 : vector<48x48xf32>
    %reduce_sum3A_474 = arith.constant dense<0.000000e+00> : vector<48xf32>
    %reduce_sum3A_475 = vector.multi_reduction <add>, %exp3A_473, %reduce_sum3A_474 [1] : vector<48x48xf32> to vector<48xf32>
    %broadcast_in_dim3A_476 = vector.shape_cast %reduce_sum3A_475 : vector<48xf32> to vector<48x1xf32>
    %convert_element_type3A_477 = arith.truncf %exp3A_473 : vector<48x48xf32> to vector<48x48xbf16>
    %dot_general3A_478 = arith.constant dense<0.000000e+00> : vector<48x192xf32>
    %dot_general3A_479 = tpu.matmul %convert_element_type3A_477, %slice3A_453, %dot_general3A_478 {dimension_numbers = #tpu.dot_dimension_numbers<[1], [0], [0], [1], [0, 0, 1, 1], [], []>, transpose_lhs_hint = false} : vector<48x48xbf16>, vector<48x192xbf16>, vector<48x192xf32> -> vector<48x192xf32>
    %reduce_or3A_480 = arith.constant 1.000000e+00 : f32
    %reduce_or3A_481 = arith.constant 0.000000e+00 : f32
    %reduce_or3A_482 = vector.broadcast %reduce_or3A_480 : f32 to vector<48x48xf32>
    %reduce_or3A_483 = vector.broadcast %reduce_or3A_481 : f32 to vector<48x48xf32>
    %reduce_or3A_484 = arith.select %gt3A_72, %reduce_or3A_482, %reduce_or3A_483 : vector<48x48xi1>, vector<48x48xf32>
    %reduce_or3A_485 = arith.constant dense<0xFF800000> : vector<48xf32>
    %reduce_or3A_486 = vector.multi_reduction <maximumf>, %reduce_or3A_484, %reduce_or3A_485 [1] : vector<48x48xf32> to vector<48xf32>
    %reduce_or3A_487 = arith.constant 0.000000e+00 : f32
    %reduce_or3A_488 = vector.broadcast %reduce_or3A_487 : f32 to vector<48xf32>
    %reduce_or3A_489 = arith.cmpf ogt, %reduce_or3A_486, %reduce_or3A_488 : vector<48xf32>
    %broadcast_in_dim3A_490 = vector.shape_cast %reduce_or3A_489 : vector<48xi1> to vector<48x1xi1>
    %div3A_491 = arith.constant 1.000000e+00 : f32
    %div3A_492 = vector.broadcast %div3A_491 : f32 to vector<48x1xf32>
    %div3A_493 = arith.divf %div3A_492, %broadcast_in_dim3A_476 : vector<48x1xf32>
    %mul3A_494 = vector.broadcast %div3A_493 : vector<48x1xf32> to vector<48x192xf32>
    %mul3A_495 = arith.mulf %dot_general3A_479, %mul3A_494 : vector<48x192xf32>
    %jit3A_496 = arith.constant 0.000000e+00 : f32
    %broadcast_in_dim3A_497 = vector.shape_cast %broadcast_in_dim3A_490 : vector<48x1xi1> to vector<48x1xi1>
    %broadcast_in_dim3A_498 = vector.broadcast %broadcast_in_dim3A_497 : vector<48x1xi1> to vector<48x192xi1>
    %broadcast_in_dim3A_499 = vector.broadcast %jit3A_496 : f32 to vector<48x192xf32>
    %select_n3A_500 = arith.select %broadcast_in_dim3A_498, %mul3A_495, %broadcast_in_dim3A_499 : vector<48x192xi1>, vector<48x192xf32>
    %slice3A_501 = vector.extract_strided_slice %convert_element_type3A_352 {offsets = [144, 0], sizes = [48, 192], strides = [1, 1]} : vector<192x192xbf16> to vector<48x192xbf16>
    %slice3A_502 = vector.extract_strided_slice %dot_general3A_356 {offsets = [144, 0], sizes = [48, 2], strides = [1, 1]} : vector<192x2xf32> to vector<48x2xf32>
    %slice3A_503 = vector.extract_strided_slice %slice3A_502 {offsets = [0, 0], sizes = [48, 1], strides = [1, 1]} : vector<48x2xf32> to vector<48x1xf32>
    %slice3A_504 = vector.extract_strided_slice %slice3A_502 {offsets = [0, 1], sizes = [48, 1], strides = [1, 1]} : vector<48x2xf32> to vector<48x1xf32>
    %transpose3A_505 = tpu.transpose %slice3A_504, [1, 0] : vector<48x1xf32> -> vector<1x48xf32>
    %add3A_506 = vector.broadcast %slice3A_503 : vector<48x1xf32> to vector<48x48xf32>
    %add3A_507 = vector.broadcast %transpose3A_505 : vector<1x48xf32> to vector<48x48xf32>
    %add3A_508 = arith.addf %add3A_506, %add3A_507 : vector<48x48xf32>
    %mul3A_509 = arith.constant 2.000000e-01 : f32
    %mul3A_510 = vector.broadcast %mul3A_509 : f32 to vector<48x48xf32>
    %mul3A_511 = arith.mulf %mul3A_510, %add3A_508 : vector<48x48xf32>
    %max3A_512 = arith.maximumf %add3A_508, %mul3A_511 : vector<48x48xf32>
    %jit3A_513 = arith.constant -1.000000e+09 : f32
    %broadcast_in_dim3A_514 = vector.broadcast %jit3A_513 : f32 to vector<48x48xf32>
    %select_n3A_515 = arith.select %gt3A_94, %max3A_512, %broadcast_in_dim3A_514 : vector<48x48xi1>, vector<48x48xf32>
    %reduce_max3A_516 = arith.constant dense<0xFF800000> : vector<48xf32>
    %reduce_max3A_517 = vector.multi_reduction <maximumf>, %select_n3A_515, %reduce_max3A_516 [1] : vector<48x48xf32> to vector<48xf32>
    %broadcast_in_dim3A_518 = vector.shape_cast %reduce_max3A_517 : vector<48xf32> to vector<48x1xf32>
    %sub3A_519 = vector.broadcast %broadcast_in_dim3A_518 : vector<48x1xf32> to vector<48x48xf32>
    %sub3A_520 = arith.subf %select_n3A_515, %sub3A_519 : vector<48x48xf32>
    %exp3A_521 = math.exp %sub3A_520 : vector<48x48xf32>
    %reduce_sum3A_522 = arith.constant dense<0.000000e+00> : vector<48xf32>
    %reduce_sum3A_523 = vector.multi_reduction <add>, %exp3A_521, %reduce_sum3A_522 [1] : vector<48x48xf32> to vector<48xf32>
    %broadcast_in_dim3A_524 = vector.shape_cast %reduce_sum3A_523 : vector<48xf32> to vector<48x1xf32>
    %convert_element_type3A_525 = arith.truncf %exp3A_521 : vector<48x48xf32> to vector<48x48xbf16>
    %dot_general3A_526 = arith.constant dense<0.000000e+00> : vector<48x192xf32>
    %dot_general3A_527 = tpu.matmul %convert_element_type3A_525, %slice3A_501, %dot_general3A_526 {dimension_numbers = #tpu.dot_dimension_numbers<[1], [0], [0], [1], [0, 0, 1, 1], [], []>, transpose_lhs_hint = false} : vector<48x48xbf16>, vector<48x192xbf16>, vector<48x192xf32> -> vector<48x192xf32>
    %reduce_or3A_528 = arith.constant 1.000000e+00 : f32
    %reduce_or3A_529 = arith.constant 0.000000e+00 : f32
    %reduce_or3A_530 = vector.broadcast %reduce_or3A_528 : f32 to vector<48x48xf32>
    %reduce_or3A_531 = vector.broadcast %reduce_or3A_529 : f32 to vector<48x48xf32>
    %reduce_or3A_532 = arith.select %gt3A_94, %reduce_or3A_530, %reduce_or3A_531 : vector<48x48xi1>, vector<48x48xf32>
    %reduce_or3A_533 = arith.constant dense<0xFF800000> : vector<48xf32>
    %reduce_or3A_534 = vector.multi_reduction <maximumf>, %reduce_or3A_532, %reduce_or3A_533 [1] : vector<48x48xf32> to vector<48xf32>
    %reduce_or3A_535 = arith.constant 0.000000e+00 : f32
    %reduce_or3A_536 = vector.broadcast %reduce_or3A_535 : f32 to vector<48xf32>
    %reduce_or3A_537 = arith.cmpf ogt, %reduce_or3A_534, %reduce_or3A_536 : vector<48xf32>
    %broadcast_in_dim3A_538 = vector.shape_cast %reduce_or3A_537 : vector<48xi1> to vector<48x1xi1>
    %div3A_539 = arith.constant 1.000000e+00 : f32
    %div3A_540 = vector.broadcast %div3A_539 : f32 to vector<48x1xf32>
    %div3A_541 = arith.divf %div3A_540, %broadcast_in_dim3A_524 : vector<48x1xf32>
    %mul3A_542 = vector.broadcast %div3A_541 : vector<48x1xf32> to vector<48x192xf32>
    %mul3A_543 = arith.mulf %dot_general3A_527, %mul3A_542 : vector<48x192xf32>
    %jit3A_544 = arith.constant 0.000000e+00 : f32
    %broadcast_in_dim3A_545 = vector.shape_cast %broadcast_in_dim3A_538 : vector<48x1xi1> to vector<48x1xi1>
    %broadcast_in_dim3A_546 = vector.broadcast %broadcast_in_dim3A_545 : vector<48x1xi1> to vector<48x192xi1>
    %broadcast_in_dim3A_547 = vector.broadcast %jit3A_544 : f32 to vector<48x192xf32>
    %select_n3A_548 = arith.select %broadcast_in_dim3A_546, %mul3A_543, %broadcast_in_dim3A_547 : vector<48x192xi1>, vector<48x192xf32>
    %concatenate3A_549 = tpu.concatenate %select_n3A_404, %select_n3A_452, %select_n3A_500, %select_n3A_548 in 0 : vector<48x192xf32>, vector<48x192xf32>, vector<48x192xf32>, vector<48x192xf32> -> vector<192x192xf32>
    %gt3A_550 = arith.constant 0.000000e+00 : f32
    %gt3A_551 = vector.broadcast %gt3A_550 : f32 to vector<192x192xf32>
    %gt3A_552 = arith.cmpf ogt, %concatenate3A_549, %gt3A_551 : vector<192x192xf32>
    %min3A_553 = arith.constant 0.000000e+00 : f32
    %min3A_554 = vector.broadcast %min3A_553 : f32 to vector<192x192xf32>
    %min3A_555 = arith.minimumf %concatenate3A_549, %min3A_554 : vector<192x192xf32>
    %exp3A_556 = math.exp %min3A_555 : vector<192x192xf32>
    %sub3A_557 = arith.constant 1.000000e+00 : f32
    %sub3A_558 = vector.broadcast %sub3A_557 : f32 to vector<192x192xf32>
    %sub3A_559 = arith.subf %exp3A_556, %sub3A_558 : vector<192x192xf32>
    %select_n3A_560 = arith.select %gt3A_552, %concatenate3A_549, %sub3A_559 : vector<192x192xi1>, vector<192x192xf32>
    %convert_element_type3A_561 = arith.truncf %select_n3A_560 : vector<192x192xf32> to vector<192x192xbf16>
    %convert_element_type3A_562 = arith.truncf %squeeze3A_344 : vector<192x192xf32> to vector<192x192xbf16>
    %dot_general3A_563 = arith.constant dense<0.000000e+00> : vector<192x192xf32>
    %dot_general3A_564 = tpu.matmul %convert_element_type3A_561, %convert_element_type3A_562, %dot_general3A_563 {dimension_numbers = #tpu.dot_dimension_numbers<[1], [0], [0], [1], [0, 0, 1, 1], [], []>, transpose_lhs_hint = false} : vector<192x192xbf16>, vector<192x192xbf16>, vector<192x192xf32> -> vector<192x192xf32>
    %add3A_565 = vector.broadcast %slice3A_345 : vector<1x192xf32> to vector<192x192xf32>
    %add3A_566 = arith.addf %dot_general3A_564, %add3A_565 : vector<192x192xf32>
    %reduce_sum3A_567 = arith.constant dense<0.000000e+00> : vector<192xf32>
    %reduce_sum3A_568 = vector.multi_reduction <add>, %add3A_566, %reduce_sum3A_567 [1] : vector<192x192xf32> to vector<192xf32>
    %broadcast_in_dim3A_569 = vector.shape_cast %reduce_sum3A_568 : vector<192xf32> to vector<192x1xf32>
    %div3A_570 = arith.constant 1.920000e+02 : f32
    %div3A_571 = vector.broadcast %div3A_570 : f32 to vector<192x1xf32>
    %div3A_572 = arith.divf %broadcast_in_dim3A_569, %div3A_571 : vector<192x1xf32>
    %sub3A_573 = vector.broadcast %div3A_572 : vector<192x1xf32> to vector<192x192xf32>
    %sub3A_574 = arith.subf %add3A_566, %sub3A_573 : vector<192x192xf32>
    %mul3A_575 = arith.mulf %sub3A_574, %sub3A_574 : vector<192x192xf32>
    %reduce_sum3A_576 = arith.constant dense<0.000000e+00> : vector<192xf32>
    %reduce_sum3A_577 = vector.multi_reduction <add>, %mul3A_575, %reduce_sum3A_576 [1] : vector<192x192xf32> to vector<192xf32>
    %broadcast_in_dim3A_578 = vector.shape_cast %reduce_sum3A_577 : vector<192xf32> to vector<192x1xf32>
    %div3A_579 = arith.constant 1.920000e+02 : f32
    %div3A_580 = vector.broadcast %div3A_579 : f32 to vector<192x1xf32>
    %div3A_581 = arith.divf %broadcast_in_dim3A_578, %div3A_580 : vector<192x1xf32>
    %add3A_582 = arith.constant 9.99999974E-6 : f32
    %add3A_583 = vector.broadcast %add3A_582 : f32 to vector<192x1xf32>
    %add3A_584 = arith.addf %div3A_581, %add3A_583 : vector<192x1xf32>
    %rsqrt3A_585 = math.rsqrt %add3A_584 : vector<192x1xf32>
    %mul3A_586 = vector.broadcast %rsqrt3A_585 : vector<192x1xf32> to vector<192x192xf32>
    %mul3A_587 = arith.mulf %sub3A_574, %mul3A_586 : vector<192x192xf32>
    %mul3A_588 = vector.broadcast %slice3A_346 : vector<1x192xf32> to vector<192x192xf32>
    %mul3A_589 = arith.mulf %mul3A_587, %mul3A_588 : vector<192x192xf32>
    %add3A_590 = vector.broadcast %slice3A_347 : vector<1x192xf32> to vector<192x192xf32>
    %add3A_591 = arith.addf %mul3A_589, %add3A_590 : vector<192x192xf32>
    %reshape3A_592 = vector.shape_cast %add3A_338 : vector<1856x192xf32> to vector<4x464x192xf32>
    %swap3A = arith.constant 0 : index
    %swap3A_593 = arith.constant 0 : index
    %swap3A_594 = arith.constant 0 : index
    %swap3A_595 = vector.load %arg7[%swap3A, %swap3A_593, %swap3A_594] : memref<4x512x192xf32, #tpu.memory_space<vmem>>, vector<4x464x192xf32>
    tpu.vector_store %arg7[%swap3A, %swap3A_593, %swap3A_594], %reshape3A_592 {strides = array<i32>} : memref<4x512x192xf32, #tpu.memory_space<vmem>>, vector<4x464x192xf32>,
    %reshape3A_596 = vector.shape_cast %add3A_591 : vector<192x192xf32> to vector<4x48x192xf32>
    %swap3A_597 = arith.constant 0 : index
    %swap3A_598 = arith.constant 464 : index
    %swap3A_599 = arith.constant 0 : index
    %swap3A_600 = vector.load %arg7[%swap3A_597, %swap3A_598, %swap3A_599] : memref<4x512x192xf32, #tpu.memory_space<vmem>>, vector<4x48x192xf32>
    tpu.vector_store %arg7[%swap3A_597, %swap3A_598, %swap3A_599], %reshape3A_596 {strides = array<i32>} : memref<4x512x192xf32, #tpu.memory_space<vmem>>, vector<4x48x192xf32>,
    return
  }
  func.func @transform_0(%arg0: i32) -> (i32, i32, i32) {
    %c0_i32 = arith.constant 0 : i32
    %c0_i32_0 = arith.constant 0 : i32
    %c0_i32_1 = arith.constant 0 : i32
    return %arg0, %c0_i32, %c0_i32_0 : i32, i32, i32
  }
  func.func @transform_1(%arg0: i32) -> (i32, i32, i32) {
    %c0_i32 = arith.constant 0 : i32
    %c0_i32_0 = arith.constant 0 : i32
    %c0_i32_1 = arith.constant 0 : i32
    return %arg0, %c0_i32, %c0_i32_0 : i32, i32, i32
  }
  func.func @transform_2(%arg0: i32) -> (i32, i32, i32) {
    %c0_i32 = arith.constant 0 : i32
    %c0_i32_0 = arith.constant 0 : i32
    %c0_i32_1 = arith.constant 0 : i32
    return %arg0, %c0_i32, %c0_i32_0 : i32, i32, i32
  }
  func.func @transform_3(%arg0: i32) -> (i32, i32, i32) {
    %c0_i32 = arith.constant 0 : i32
    %c0_i32_0 = arith.constant 0 : i32
    %c0_i32_1 = arith.constant 0 : i32
    %c0_i32_2 = arith.constant 0 : i32
    return %c0_i32, %c0_i32_0, %c0_i32_1 : i32, i32, i32
  }
  func.func @transform_4(%arg0: i32) -> (i32, i32, i32) {
    %c0_i32 = arith.constant 0 : i32
    %c0_i32_0 = arith.constant 0 : i32
    %c0_i32_1 = arith.constant 0 : i32
    %c0_i32_2 = arith.constant 0 : i32
    return %c0_i32, %c0_i32_0, %c0_i32_1 : i32, i32, i32
  }
  func.func @transform_5(%arg0: i32) -> (i32, i32) {
    %c0_i32 = arith.constant 0 : i32
    %c0_i32_0 = arith.constant 0 : i32
    %c0_i32_1 = arith.constant 0 : i32
    return %c0_i32, %c0_i32_0 : i32, i32
  }
  func.func @transform_6(%arg0: i32) -> (i32, i32, i32) {
    %c0_i32 = arith.constant 0 : i32
    %c0_i32_0 = arith.constant 0 : i32
    %c0_i32_1 = arith.constant 0 : i32
    return %arg0, %c0_i32, %c0_i32_0 : i32, i32, i32
  }
}

</mosaic_0001>

<sc_bundles>
// kernel: kernel.4.cloned.1.call-start
scs
__scs_entry_jumppad:
0x0: {  	(pc) =	sbr.rel $0x88, $3  }
0x1: {  	(tag) =	ssettag $0x0;
	lr =	simm.s32 $0x1  }
0x2: {  	[smem:$0x3F91] =	sst lr;
	_ =	strace $0xD0000000  }
0x3: {  	_ = 	snop  }
0x4: {  	_ = 	snop  }
0x5: {  	_ = 	snop  }
0x6: {  	_ = 	snop  }
0x7: {  	_ = 	snop  }
__scs_overlays_trampoline_lowered:
0x8: {  	[smem:$0x3FA0] =	sst s0  }
0x9: {  	[smem:$0x3FA1] =	sst s1  }
0xa: {  	[smem:$0x3FA2] =	sst s2  }
0xb: {  	[smem:$0x3FA3] =	sst s3  }
0xc: {  	[smem:$0x3FA4] =	sst s4  }
0xd: {  	[smem:$0x3FA5] =	sst s5  }
0xe: {  	[smem:$0x3FA6] =	sst s6  }
0xf: {  	[smem:$0x3FA7] =	sst s7  }
0x10: {  	[smem:$0x3FA8] =	sst s8  }
0x11: {  	[smem:$0x3FA9] =	sst s9;
	s0 =	simm.s32 @!p0 $0x0  }
0x12: {  	s1 =	sld [smem:$0x3F8F];
	s0 =	simm.s32 @p0 $0x1  }
0x13: {  	[smem:$0x3FAA] =	sst s0;
	s0 =	simm.s32 @!p1 $0x0  }
0x14: {  	s2 =	sld [smem:$0x3F8E];
	s0 =	simm.s32 @p1 $0x1  }
0x15: {  	[smem:$0x3FAB] =	sst s0;
	s0 =	simm.s32 @!p2 $0x0  }
0x16: {  	s3 =	sld [smem:$0x3FDB];
	s0 =	simm.s32 @p2 $0x1  }
0x17: {  	s4 =	simm.s32 $0x1BF5;
	[smem:$0x3FAD] =	sst s0  }
0x18: {  	s0 =	sld [smem:$0x3F90];
	_ =	swait.ge [sflag:s4], $0x0  }
0x19: {  	s7 =	sld [smem:$0x3F91]  }
0x1a: {  	s8 =	sadd.s32 $0xFFFFE003, lr  }
0x1b: {  	s9 =	sadd.s32 $0xFFFFFEF7, lr;
	s5 =	simm.s32 $0xFFFFFFFF;
	p2 =	slt.u32 s8, $0xFFFFF086  }
0x1c: {  	p1 =	slt.u32 s9, $0xF7A;
	s5 =	simm.s32 @!p2 $0x0  }
0x1d: {  	s5 =	simm.s32 @p1 $0x1;
	p0 =	seq.s32 s7, s2  }
0x1e: {  	s7 =	smul.u32 @!p0 $0xF7A, s2;
	p2 =	seq.s32 @!p0 s5, $0x0  }
0x1f: {  	s9 =	smul.u32 $0xF7A, s1;
	s8 =	simm.s32 @!p0 $0x1BF5;
	p2 =	por !p2, p0  }
0x20: {  	[sflag:s8] =	ssyncset.s32 @!p0 $0xFFFFF086;
	s6 =	sadd.s32 @!p0 s3, s7;
	s7 =	simm.s32 @!p0 $0x108  }
0x21: {  	s3 =	sadd.s32 s3, s9;
	s6 =	sadd.s32 @!p0 $0x88, s6;
	s7 =	simm.s32 @p2 $0x1082  }
0x22: {  	[simem:s7], [sflag:s8] =	dma.local @!p0 [hbm:s6], $0xF7A  }
0x23: {  	s9 =	sor.u32 $0xD0000000, s2;
	s6 =	simm.s32 $0x108;
	_ =	swait.ge @!p0 [sflag:s8], $0x0  }
0x24: {  	s3 =	sadd.s32 $0x88, s3;
	s6 =	simm.s32 @!p1 $0x1082;
	[sflag:s4] =	ssyncset.s32 $0xFFFFF086  }
0x25: {  	[simem:s6], [sflag:s4] =	dma.local [hbm:s3], $0xF7A  }
0x26: {  	[smem:$0x3F91] =	sst s1;
	(tag) =	ssettag s2;
	_ =	strace s9  }
0x27: {  	s1 =	sld [smem:$0x3FA1]  }
0x28: {  	s2 =	sld [smem:$0x3FA2]  }
0x29: {  	s4 =	sld [smem:$0x3FA4]  }
0x2a: {  	p0 =	seq.s32 s5, $0x0;
	s5 =	sld [smem:$0x3FA5]  }
0x2b: {  	s6 =	sld [smem:$0x3FA6]  }
0x2c: {  	s7 =	sld [smem:$0x3FA7]  }
0x2d: {  	s3 =	simm.s32 $0x108;
	s8 =	sld [smem:$0x3FA8]  }
0x2e: {  	s3 =	simm.s32 @!p0 $0x1082;
	s9 =	sld [smem:$0x3FA9]  }
0x2f: {  	lr =	sadd.s32 s0, s3;
	s0 =	sld [smem:$0x3FA0]  }
0x30: {  	s3 =	sld [smem:$0x3FA3]  }
0x31: {  	[smem:$0x3FAC] =	sst s10  }
0x32: {  	s10 =	sld [smem:$0x3FAA];
	_ =	sdelay $0x3  }
0x33: {  	p0 =	seq.s32 s10, $0x1;
	s10 =	sld [smem:$0x3FAC];
	_ =	sdelay $0x3  }
0x34: {  	[smem:$0x3FAC] =	sst s10  }
0x35: {  	s10 =	sld [smem:$0x3FAB];
	_ =	sdelay $0x3  }
0x36: {  	p1 =	seq.s32 s10, $0x1;
	s10 =	sld [smem:$0x3FAC];
	_ =	sdelay $0x3  }
0x37: {  	[smem:$0x3FAC] =	sst s10  }
0x38: {  	s10 =	sld [smem:$0x3FAD]  }
0x39: {  	_ = 	snop;
	(pc) =	sbr.ind lr, $3  }
0x3a: {  	_ = 	snop  }
0x3b: {  	_ = 	snop  }
0x3c: {  	p2 =	seq.s32 s10, $0x1;
	s10 =	sld [smem:$0x3FAC]  }
0x3d: {  	_ =	shalt  }
0x3e: {  	_ =	shalt  }
0x3f: {  	_ =	shalt  }
0x40: {  	_ =	shalt  }
0x41: {  	_ =	shalt  }
0x42: {  	_ =	shalt  }
0x43: {  	_ =	shalt  }
0x44: {  	_ =	shalt  }
0x45: {  	_ =	shalt  }
0x46: {  	_ =	shalt  }
0x47: {  	_ =	shalt  }
0x48: {  	_ =	shalt  }
0x49: {  	_ =	shalt  }
0x4a: {  	_ =	shalt  }
0x4b: {  	_ =	shalt  }
0x4c: {  	_ =	shalt  }
0x4d: {  	_ =	shalt  }
0x4e: {  	_ =	shalt  }
0x4f: {  	_ =	shalt  }
0x50: {  	_ =	shalt  }
0x51: {  	_ =	shalt  }
0x52: {  	_ =	shalt  }
0x53: {  	_ =	shalt  }
0x54: {  	_ =	shalt  }
0x55: {  	_ =	shalt  }
0x56: {  	_ =	shalt  }
0x57: {  	_ =	shalt  }
0x58: {  	_ =	shalt  }
0x59: {  	_ =	shalt  }
0x5a: {  	_ =	shalt  }
0x5b: {  	_ =	shalt  }
0x5c: {  	_ =	shalt  }
0x5d: {  	_ =	shalt  }
0x5e: {  	_ =	shalt  }
0x5f: {  	_ =	shalt  }
0x60: {  	_ =	shalt  }
0x61: {  	_ =	shalt  }
0x62: {  	_ =	shalt  }
0x63: {  	_ =	shalt  }
0x64: {  	_ =	shalt  }
0x65: {  	_ =	shalt  }
0x66: {  	_ =	shalt  }
0x67: {  	_ =	shalt  }
0x68: {  	_ =	shalt  }
0x69: {  	_ =	shalt  }
0x6a: {  	_ =	shalt  }
0x6b: {  	_ =	shalt  }
0x6c: {  	_ =	shalt  }
0x6d: {  	_ =	shalt  }
0x6e: {  	_ =	shalt  }
0x6f: {  	_ =	shalt  }
0x70: {  	_ =	shalt  }
0x71: {  	_ =	shalt  }
0x72: {  	_ =	shalt  }
0x73: {  	_ =	shalt  }
0x74: {  	_ =	shalt  }
0x75: {  	_ =	shalt  }
0x76: {  	_ =	shalt  }
0x77: {  	_ =	shalt  }
0x78: {  	_ =	shalt  }
0x79: {  	_ =	shalt  }
0x7a: {  	_ =	shalt  }
0x7b: {  	_ =	shalt  }
0x7c: {  	_ =	shalt  }
0x7d: {  	_ =	shalt  }
0x7e: {  	_ =	shalt  }
0x7f: {  	_ =	shalt  }
0x80: {  	_ =	shalt  }
0x81: {  	_ =	shalt  }
0x82: {  	_ =	shalt  }
0x83: {  	_ =	shalt  }
0x84: {  	_ =	shalt  }
0x85: {  	_ =	shalt  }
0x86: {  	_ =	shalt  }
0x87: {  	_ =	shalt  }
.Lfunc_end0:
.L_simem_size_0:
called_computation_lowered:
.L_overlay_start_0:
0x88: {  	s2 =	sld [smem:$0x3FD9]  }
0x89: {  	s3 =	sld [smem:$0x3FFE];
	_ =	sdelay $0x1  }
0x8a: {  	s1 =	srdreg.scid  }
0x8b: {  	s0 =	sand.u32 $0x1, s1  }
0x8c: {  	s17 =	sshll.u32 s0, $0xA;
	s2 =	sadd.s32 s3, s2  }
0x8d: {  	s2 =	sadd.s32 s2, s17  }
0x8e: {  	[smem:$0x3FB8] =	sst s2  }
0x8f: {  	_ = 	snop  }
0x90: {  	s2 =	sld [smem:$0x3FD0];
	(tm) =	ssettm $0x1  }
0x91: {  	s18 =	sld [smem:$0x3FFB];
	_ =	sdelay $0x3  }
0x92: {  	_ =	strace s18  }
0x93: {  	s3 =	sld [smem:$0x3FFC];
	_ =	sdelay $0x3  }
0x94: {  	_ =	strace s3  }
0x95: {  	s3 =	sld [smem:$0x3FFD];
	_ =	sdelay $0x3  }
0x96: {  	_ =	strace s3  }
0x97: {  	_ =	strace $0x8FFFFFFF  }
0x98: {  	s19 =	sld [smem:$0x3FDB];
	_ =	sdelay $0x1  }
0x99: {  	s4 =	simm.s32 $_scs_section_size  }
0x9a: {  	s5 =	simm.s32 $_size__tile_overlayer_lowered;
	s6 =	simm.s32 $_tile_overlayer_lowered  }
0x9b: {  	s22 =	simm.s32 $0x1BFF;
	s21 =	sshll.u32 s6, $0x1;
	s3 =	sadd.s32 s4, s19  }
0x9c: {  	s7 =	simm.s32 $0x0;
	s20 =	sshll.u32 s5, $0x1;
	s5 =	sadd.s32 s21, s3  }
0x9d: {  	[timem:s7], [sflag:s22] =	dma.local [hbm:s5], s20  }
0x9e: {  	_ =	swait.ge [sflag:s22], s20  }
0x9f: {  	s4 =	ssub.s32 $0x0, s20;
	[sflag:s22] =	ssyncset.done $0x0  }
0xa0: {  	[sflag:s22] =	ssyncadd.s32 s4;
	_ =	sdelay $0x1  }
0xa1: {  	s23 =	simm.s32 $0x1B8B  }
0xa2: {  	_ =	swait.ge [sflag:s23], $0x1  }
0xa3: {  	[sflag:s23] =	ssyncset.done $0x0  }
0xa4: {  	s25 =	simm.s32 $0x1B8E;
	s24 =	sld [smem:$0x3FFE];
	[sflag:s23] =	ssyncadd.s32 $0xFFFFFFFF  }
0xa5: {  	s26 =	simm.s32 $execute0_lowered;
	[smem:$0x3FD2] =	sst s25  }
0xa6: {  	s5 =	sshll.u32 s26, $0x1;
	_ =	strace $0x80000046;
	[dreg:$0x1] =	wrdreg $0xFFFFFFFF  }
0xa7: {  	s28 =	simm.s32 $_size_execute0_lowered;
	s3 =	sadd.s32 s3, s5;
	[dreg:$0x0] =	wrdreg $0x0  }
0xa8: {  	s5 =	sshll.u32 s28, $0x1;
	[dreg:$0x2] =	wrdreg s3  }
0xa9: {  	[dreg:$0x3] =	wrdreg s5  }
0xaa: {  	[dreg:$0x4] =	wrdreg $0xC0  }
0xab: {  	_ =	task [dreg:s7], $0x5FFFF  }
0xac: {  	[dreg:$0x1] =	wrdreg $0xFFFFFFFF  }
0xad: {  	[dreg:$0x0] =	wrdreg $0x60  }
0xae: {  	[dreg:$0x2] =	wrdreg s24  }
0xaf: {  	[dreg:$0x3] =	wrdreg s2  }
0xb0: {  	[dreg:$0x4] =	wrdreg $0x9  }
0xb1: {  	_ =	task.clear_ibuf [dreg:s7], $0x5FFFF;
	_ =	strace $0x90000046  }
0xb2: {  	s29 =	simm.s32 $0x9;
	_ =	strace $0x80000048  }
0xb3: {  	_ =	swait.ge [sflag:s29], $0x1  }
0xb4: {  	[sflag:s29] =	ssyncadd.s32 $0xFFFFFFFF  }
0xb5: {  	_ =	strace $0x90000048  }
0xb6: {  	_ =	sfence  }
0xb7: {  	s30 =	sld [smem:$0x0];
	_ =	sdelay $0x2  }
0xb8: {  	s31 =	sshll.u32 s1, $0xD;
	s1 =	sshrl.u32 s1, $0x2  }
0xb9: {  	s3 =	sand.u32 $0x4000, s31;
	s1 =	sadd.s32 s1, s30  }
0xba: {  	s0 =	sor.u32 s3, s0;
	s1 =	sshll.u32 s1, $0x11  }
0xbb: {  	s0 =	sor.u32 s1, s0  }
0xbc: {  	s0 =	sadd.s32 $0x8F2B, s0  }
0xbd: {  	[sflag:s0] =	ssyncadd.remote.s32 $0x1  }
0xbe: {  	_ =	sfence.sel $0xFFFF  }
0xbf: {  	[dreg:$0x0] =	wrdreg $0xFFFFFFFF;
	(pc) =	sbr.abs _section_cstart, $3  }
0xc0: {  	[dreg:$0x1] =	wrdreg $0xFFFFFFFF  }
0xc1: {  	_ =	task.clear_ibuf [dreg:s7], $0x2FFFF;
	_ =	strace $0x9FFFFFFF  }
0xc2: {  	(tm) =	ssettm $0x7FFFFFFF  }
0xc3: {  	_ =	shalt  }
tec
execute0_lowered:
.L_overlay_start_1:
0x0: {  	(tag) =	ssettag $0x1  }
0x1: {  	s0 =	srdreg.scid;
	s3 =	rddreg [dreg:$0x0]  }
0x2: {  	s6 =	rddreg [dreg:$0x1];
	s1 =	stileid.u32;
	s2 =	simm.s32 $0x0  }
0x3: {  	s11 =	simm.s32 $0x1;
	s12 =	simm.s32 $0x2;
	s13 =	simm.s32 $0x1000  }
0x4: {  	s14 =	simm.s32 $0x7000;
	s4 =	sand.u32 $0x1, s0;
	s0 =	rddreg [dreg:$0x2]  }
0x5: {  	s15 =	simm.s32 $0x0;
	[smem:$0x7FF] =	sst s2;
	s5 =	sshll.u32 s4, $0x4  }
0x6: {  	s8 =	sshll.u32 s1, $0x4;
	s4 =	ssub.s32 $0x2, s4;
	s5 =	sor.u32 s1, s5  }
0x7: {  	_ =	strace $0x80000047;
	s9 =	sshrl.u32 s4, $0x1;
	s29 =	smul.u32 $0xC00, s5  }
0x8: {  	s7 =	sshll.u32 s5, $0x8;
	s10 =	smul.u32 $0x1D00, s5;
	s31 =	ssub.s32 s4, s9  }
0x9: {  	s9 =	simm.s32 $0x400;
	s7 =	sor.u32 s8, s7;
	s8 =	simm.s32 $0x80  }
0xa: {  	s7 =	sand.u32 $0x1870, s7;
	s30 =	sadd.s32 s29, s3;
	s6 =	sadd.s32 s6, s10  }
0xb: {  	s10 =	simm.s32 $0x800;
	s7 =	sadd.s32 s7, s3;
	s5 =	sadd.s32 $0x6000, s30  }
0xc: {  	v0 =	vimm.f32 $0.0e+00;
	v1 =	vimm.f32 $1.000000000e+00;
	v2 =	vimm.s32 $0x5FCF;
	s3 =	sadd.s32 $0x4000, s7;
	s4 =	sadd.s32 $0x2000, s7;
	s7 =	smax.u32 s31, $0x1  }
.LBB2_1:
0xd: {  	[tilespmem:s2], [sflag:$0x1] =	stream.strided.gather [hbm4b:s3+s8], $0x800, s9, s8, $0x38;
	[tilespmem:$0x15800] =	vst v63  }
0xe: {  	s16 =	sand.u32 $0x7000, s2;
	s17 =	sand.u32 $0x380, s2  }
0xf: {  	s16 =	sor.u32 s17, s16  }
0x10: {  	[tilespmem:s10], [sflag:$0x2] =	stream.strided.gather [hbm4b:s4+s8], $0x800, s9, s8, $0x38;
	[tilespmem:$0x15800] =	vst v63  }
0x11: {  	[tilespmem:s16+$0x1C40] =	vst v0  }
0x12: {  	[tilespmem:s16+$0x1000] =	vst v0  }
0x13: {  	[tilespmem:s16+$0x1010] =	vst v0  }
0x14: {  	[tilespmem:s16+$0x1020] =	vst v0  }
0x15: {  	[tilespmem:s16+$0x1030] =	vst v0  }
0x16: {  	[tilespmem:s16+$0x1040] =	vst v0  }
0x17: {  	[tilespmem:s16+$0x1050] =	vst v0  }
0x18: {  	[tilespmem:s16+$0x1060] =	vst v0  }
0x19: {  	[tilespmem:s16+$0x1070] =	vst v0  }
0x1a: {  	[tilespmem:s16+$0x1400] =	vst v0  }
0x1b: {  	[tilespmem:s16+$0x1410] =	vst v0  }
0x1c: {  	[tilespmem:s16+$0x1420] =	vst v0  }
0x1d: {  	[tilespmem:s16+$0x1430] =	vst v0  }
0x1e: {  	[tilespmem:s16+$0x1440] =	vst v0  }
0x1f: {  	[tilespmem:s16+$0x1450] =	vst v0  }
0x20: {  	[tilespmem:s16+$0x1460] =	vst v0  }
0x21: {  	[tilespmem:s16+$0x1470] =	vst v0  }
0x22: {  	[tilespmem:s16+$0x1800] =	vst v0  }
0x23: {  	[tilespmem:s16+$0x1810] =	vst v0  }
0x24: {  	[tilespmem:s16+$0x1820] =	vst v0  }
0x25: {  	[tilespmem:s16+$0x1830] =	vst v0  }
0x26: {  	[tilespmem:s16+$0x1840] =	vst v0  }
0x27: {  	[tilespmem:s16+$0x1850] =	vst v0  }
0x28: {  	[tilespmem:s16+$0x1860] =	vst v0  }
0x29: {  	[tilespmem:s16+$0x1870] =	vst v0  }
0x2a: {  	[tilespmem:s16+$0x1C00] =	vst v0  }
0x2b: {  	s18 =	simm.s32 $0x200;
	s17 =	simm.s32 $0x80;
	[tilespmem:s16+$0x1C10] =	vst v0  }
0x2c: {  	s19 =	sand.u32 $0x7000, s18;
	s18 =	simm.s32 $0x400;
	s20 =	sand.u32 $0x380, s17;
	[tilespmem:s16+$0x1C20] =	vst v0  }
.LBB2_2:
0x2d: {  	p0 =	sne.s32 s18, $0x5E00;
	[tilespmem:s16+$0x1C30] =	vst v0;
	s16 =	sor.u32 s20, s19  }
0x2e: {  	[tilespmem:s16+$0x1C40] =	vst v0  }
0x2f: {  	[tilespmem:s16+$0x1000] =	vst v0  }
0x30: {  	[tilespmem:s16+$0x1010] =	vst v0  }
0x31: {  	[tilespmem:s16+$0x1020] =	vst v0  }
0x32: {  	[tilespmem:s16+$0x1030] =	vst v0  }
0x33: {  	[tilespmem:s16+$0x1040] =	vst v0  }
0x34: {  	[tilespmem:s16+$0x1050] =	vst v0  }
0x35: {  	[tilespmem:s16+$0x1060] =	vst v0  }
0x36: {  	[tilespmem:s16+$0x1070] =	vst v0  }
0x37: {  	[tilespmem:s16+$0x1400] =	vst v0  }
0x38: {  	[tilespmem:s16+$0x1410] =	vst v0  }
0x39: {  	[tilespmem:s16+$0x1420] =	vst v0  }
0x3a: {  	[tilespmem:s16+$0x1430] =	vst v0  }
0x3b: {  	[tilespmem:s16+$0x1440] =	vst v0  }
0x3c: {  	[tilespmem:s16+$0x1450] =	vst v0  }
0x3d: {  	[tilespmem:s16+$0x1460] =	vst v0  }
0x3e: {  	[tilespmem:s16+$0x1470] =	vst v0  }
0x3f: {  	[tilespmem:s16+$0x1800] =	vst v0  }
0x40: {  	[tilespmem:s16+$0x1810] =	vst v0  }
0x41: {  	[tilespmem:s16+$0x1820] =	vst v0  }
0x42: {  	[tilespmem:s16+$0x1830] =	vst v0  }
0x43: {  	[tilespmem:s16+$0x1840] =	vst v0  }
0x44: {  	[tilespmem:s16+$0x1850] =	vst v0  }
.Ltmp0:
0x45: {  	[tilespmem:s16+$0x1860] =	vst v0;
	(pc) =	sbr.rel @p0 .LBB2_2-.Ltmp0, $4  }
0x46: {  	[tilespmem:s16+$0x1870] =	vst v0  }
0x47: {  	[tilespmem:s16+$0x1C00] =	vst v0  }
0x48: {  	s17 =	sadd.s32 $0x80, s17;
	[tilespmem:s16+$0x1C10] =	vst v0  }
0x49: {  	s19 =	sand.u32 $0x7000, s18;
	s18 =	sadd.s32 $0x200, s18;
	s20 =	sand.u32 $0x380, s17;
	[tilespmem:s16+$0x1C20] =	vst v0  }
0x4a: {  	s17 =	sor.u32 s20, s19;
	[tilespmem:s16+$0x1C30] =	vst v0  }
0x4b: {  	[tilespmem:s17+$0x1C40] =	vst v0  }
0x4c: {  	[tilespmem:s17+$0x1000] =	vst v0  }
0x4d: {  	[tilespmem:s17+$0x1010] =	vst v0  }
0x4e: {  	[tilespmem:s17+$0x1020] =	vst v0  }
0x4f: {  	[tilespmem:s17+$0x1030] =	vst v0  }
0x50: {  	[tilespmem:s17+$0x1040] =	vst v0  }
0x51: {  	[tilespmem:s17+$0x1050] =	vst v0  }
0x52: {  	[tilespmem:s17+$0x1060] =	vst v0  }
0x53: {  	[tilespmem:s17+$0x1070] =	vst v0  }
0x54: {  	[tilespmem:s17+$0x1400] =	vst v0  }
0x55: {  	[tilespmem:s17+$0x1410] =	vst v0  }
0x56: {  	[tilespmem:s17+$0x1420] =	vst v0  }
0x57: {  	[tilespmem:s17+$0x1430] =	vst v0  }
0x58: {  	[tilespmem:s17+$0x1440] =	vst v0  }
0x59: {  	[tilespmem:s17+$0x1450] =	vst v0  }
0x5a: {  	[tilespmem:s17+$0x1460] =	vst v0  }
0x5b: {  	[tilespmem:s17+$0x1470] =	vst v0  }
0x5c: {  	[tilespmem:s17+$0x1800] =	vst v0  }
0x5d: {  	[tilespmem:s17+$0x1810] =	vst v0  }
0x5e: {  	[tilespmem:s17+$0x1820] =	vst v0  }
0x5f: {  	[tilespmem:s17+$0x1830] =	vst v0  }
0x60: {  	[tilespmem:s17+$0x1840] =	vst v0  }
0x61: {  	[tilespmem:s17+$0x1850] =	vst v0  }
0x62: {  	[tilespmem:s17+$0x1860] =	vst v0  }
0x63: {  	[tilespmem:s17+$0x1870] =	vst v0  }
0x64: {  	[tilespmem:s17+$0x1C00] =	vst v0  }
0x65: {  	[tilespmem:s17+$0x1C10] =	vst v0  }
0x66: {  	[tilespmem:s17+$0x1C20] =	vst v0  }
0x67: {  	s16 =	simm.s32 $0x200;
	[tilespmem:s17+$0x1C30] =	vst v0;
	s17 =	simm.s32 $0x0  }
.LBB2_4:
0x68: {  	p0 =	sne.s32 s16, $0x39E00;
	[tilespmem:s17+$0x7020] =	vst v0;
	s18 =	smov.u32 s16;
	s16 =	sadd.s32 $0x200, s16  }
.Ltmp1:
0x69: {  	[tilespmem:s17+$0x7000] =	vst v0;
	(pc) =	sbr.rel @p0 .LBB2_4-.Ltmp1, $2  }
0x6a: {  	[tilespmem:s17+$0x7010] =	vst v0;
	_ =	sdelay $0x2  }
0x6b: {  	s17 =	sshra.s32 s18, $0x2  }
0x6c: {  	[tilespmem:s17+$0x7020] =	vst v0  }
0x6d: {  	[tilespmem:s17+$0x7000] =	vst v0  }
0x6e: {  	[tilespmem:s17+$0x7010] =	vst v0  }
0x6f: {  	_ =	swait.ge [sflag:s11], $0x800  }
0x70: {  	[sflag:s11] =	ssyncset.done $0x0  }
0x71: {  	[sflag:s11] =	ssyncadd.s32 $0xFFFFF800  }
0x72: {  	_ =	swait.ge [sflag:s12], $0x800  }
0x73: {  	[sflag:s12] =	ssyncset.done $0x0  }
0x74: {  	s16 =	simm.s32 $0x0;
	[sflag:s12] =	ssyncadd.s32 $0xFFFFF800  }
0x75: {  	v3 =	vld [tilespmem:s16+$0x0]  }
0x76: {  	v4 =	vld [tilespmem:s16+$0x800];
	s16 =	simm.s32 $0x40  }
.LBB2_6:
0x77: {  	p0 =	sne.s32 s16, $0x1FC0;
	_ =	sdelay $0x2  }
0x78: {  	vm1 =	vgt.s32 v3, $0x1CF;
	v5 =	vadd.s32 $0xFFFFFE30, v3  }
0x79: {  	vm0 =	vlt.s32 v3, $0x1D0;
	vm2 =	vgt.s32 v4, $0x1CF;
	vm3 =	vlt.s32 v4, $0x1D0  }
0x7a: {  	v6 =	vadd.s32 $0xFFFFFE30, v4;
	v4 =	vshll.u32 v4, $0x7;
	vm0 =	vmand vm0, vm2  }
0x7b: {  	vm1 =	vmand vm1, vm3;
	v6 =	vnsel vm0, $0x0, v6;
	v3 =	vnsel vm0, $0x0, v3  }
0x7c: {  	v4 =	vnsel vm1, $0x0, v4;
	v7 =	vshll.u32 v6, $0x9;
	v8 =	vshll.u32 v3, $0x3  }
0x7d: {  	v6 =	vshll.u32 v6, $0x7;
	v7 =	vand.u32 $0xFFFFF000, v7;
	v8 =	vand.u32 $0xFFFFFC00, v8  }
0x7e: {  	v5 =	vnsel vm1, $0x0, v5;
	v6 =	vand.u32 $0x380, v6;
	v7 =	vadd.s32 v8, v7  }
0x7f: {  	v3 =	vand.u32 $0x7F, v3;
	v6 =	vor.u32 v6, v7;
	v7 =	vand.u32 $0xFFFFFF80, v5  }
0x80: {  	v5 =	vand.u32 $0x7F, v5;
	v3 =	vor.u32 v3, v6;
	v4 =	vadd.s32 v4, v7  }
0x81: {  	v4 =	vor.u32 v5, v4;
	_ =	sdelay $0x2  }
.Ltmp2:
0x82: {  	(pc) =	sbr.rel @p0 .LBB2_6-.Ltmp2, $4  }
0x83: {  	[tilespmem:v3+s13+$0x0] =	vst.idx.msk vm0, v1  }
0x84: {  	s17 =	sshra.s32 s16, $0x2;
	[tilespmem:v4+s14+$0x0] =	vst.idx.msk vm1, v1  }
0x85: {  	v3 =	vld [tilespmem:s17+$0x0]  }
0x86: {  	s16 =	sadd.s32 $0x40, s16;
	v4 =	vld [tilespmem:s17+$0x800]  }
0x87: {  	_ =	sdelay $0x2  }
0x88: {  	vm0 =	vgt.s32 v3, $0x1CF;
	v5 =	vadd.s32 $0xFFFFFE30, v3  }
0x89: {  	vm1 =	vlt.s32 v3, $0x1D0;
	vm2 =	vgt.s32 v4, $0x1CF;
	vm3 =	vlt.s32 v4, $0x1D0  }
0x8a: {  	v6 =	vadd.s32 $0xFFFFFE30, v4;
	v62 =	vshll.u32 v4, $0x7;
	vm1 =	vmand vm1, vm2  }
0x8b: {  	vm0 =	vmand vm0, vm3;
	v6 =	vnsel vm1, $0x0, v6;
	v3 =	vnsel vm1, $0x0, v3  }
0x8c: {  	v4 =	vnsel vm0, $0x0, v62;
	v7 =	vshll.u32 v6, $0x9;
	v8 =	vshll.u32 v3, $0x3  }
0x8d: {  	v6 =	vshll.u32 v6, $0x7;
	v7 =	vand.u32 $0xFFFFF000, v7;
	v8 =	vand.u32 $0xFFFFFC00, v8  }
0x8e: {  	v5 =	vnsel vm0, $0x0, v5;
	v6 =	vand.u32 $0x380, v6;
	v7 =	vadd.s32 v8, v7  }
0x8f: {  	v3 =	vand.u32 $0x7F, v3;
	v63 =	vand.u32 $0xFFFFFF80, v5;
	v6 =	vor.u32 v6, v7  }
0x90: {  	v5 =	vand.u32 $0x7F, v5;
	v4 =	vadd.s32 v4, v63;
	v3 =	vor.u32 v3, v6  }
0x91: {  	v4 =	vor.u32 v5, v4;
	_ =	sdelay $0x3  }
0x92: {  	[tilespmem:v3+s13+$0x0] =	vst.idx.msk vm1, v1  }
0x93: {  	[tilespmem:v4+s14+$0x0] =	vst.idx.msk vm0, v1  }
0x94: {  	[tilespmem:v2+s13+$0x0] =	vst.idx.msk $0x1, v1  }
0x95: {  	[hbm4b:s5+s2] =	stream.linear.scatter [tilespmem:s13], [sflag:$0x1], $0x6000, $0x38;
	[tilespmem:$0x15800] =	vst v63  }
0x96: {  	s15 =	sadd.s32 $0x1, s15  }
0x97: {  	[hbm4b:s6+s2] =	stream.linear.scatter [tilespmem:s14], [sflag:$0x2], $0xE800, $0x38;
	[tilespmem:$0x15800] =	vst v63  }
0x98: {  	p0 =	sne.s32 s15, s7;
	_ =	swait.ge [sflag:s11], $0x6000  }
.Ltmp3:
0x99: {  	[sflag:s11] =	ssyncset.done $0x0;
	(pc) =	sbr.rel @p0 .LBB2_1-.Ltmp3, $4  }
0x9a: {  	[sflag:s11] =	ssyncadd.s32 $0xFFFFA000  }
0x9b: {  	_ =	swait.ge [sflag:s12], $0xE800  }
0x9c: {  	[sflag:s12] =	ssyncset.done $0x0  }
0x9d: {  	[sflag:s12] =	ssyncadd.s32 $0xFFFF1800  }
0x9e: {  	_ =	sfence.sel $0x180000  }
0x9f: {  	[bflag:$0x0] =	sbarrier.arrive $0xFFFF  }
0xa0: {  	p0 =	sne.s32 s1, $0x0;
	_ =	strace $0x90000047  }
0xa1: {  	s0 =	sadd.s32 @!p0 $0x100000, s0;
	[bflag:$0x2] =	sbarrier.arrive $0xFFFF  }
0xa2: {  	[sflag:s0] =	ssyncadd.tile.s32 @!p0 $0x1;
	_ =	shalt  }
.Lfunc_end2:
_tile_overlayer_lowered:
.L_overlay_start_2:
0xa3: {  	(tag) =	ssettag $0x2  }
0xa4: {  	s0 =	rddreg [dreg:$0x0];
	s2 =	stileid.u32  }
0xa5: {  	s1 =	rddreg [dreg:$0x1];
	p0 =	sne.s32 s2, $0x0  }
0xa6: {  	s3 =	rddreg [dreg:$0x2];
	[bflag:$0x3] =	sbarrier.arrive $0xFFFF;
	s2 =	simm.s32 @!p0 $0x1C03  }
0xa7: {  	[timem:s3], [sflag:s2] =	dma.local @!p0 [hbm:s0], s1  }
0xa8: {  	s0 =	simm.s32 @!p0 $0x3  }
0xa9: {  	_ =	swait.ge @!p0 [sflag:s0], s1  }
0xaa: {  	s1 =	ssub.s32 @!p0 $0x0, s1;
	[sflag:s0] =	ssyncset.done @!p0 $0x0  }
0xab: {  	[sflag:s0] =	ssyncadd.s32 @!p0 s1  }
0xac: {  	[bflag:$0x3] =	sbarrier.arrive $0xFFFF  }
0xad: {  	_ =	shalt  }

</sc_bundles>
